<compile_context>
chip_gen: v7x
topology: tpu7x:2x2x1
jax: 0.10.2.dev20260603
libtpu: 0.0.44.dev20260713+nightly
codegen_flags: <defaults>
</compile_context>

<pallas_src>
import functools

import jax
import jax.numpy as jnp
from jax import lax
from jax.experimental import pallas as pl
from jax.experimental.pallas import tpu as pltpu
from jax.experimental.pallas import tpu_sc as plsc

N = 8388608
NC = 2
NS = 16
NW = NC * NS
PER_W = N // NW
CHUNK = 32768
NCHUNK = PER_W // CHUNK
L = 16
GROUP = 8
NG = CHUNK // (L * GROUP)
CAP = 1024
TOPK = 64
K = 50
NEG_INF = float("-inf")
IMAX = 2**31 - 1


def _iota():
    return lax.iota(jnp.int32, L)


def _splat_f(v):
    return jnp.full((L,), v, jnp.float32)


def _splat_i(v):
    return jnp.full((L,), v, jnp.int32)


def _compact(cv, ci, tv, ti, cnt_s, tval_s):
    iota = _iota()

    def round_body(t, _):
        def scan_body(j, carry):
            bv, bi, bs = carry
            v = cv[pl.ds(j * L, L)]
            ivec = ci[pl.ds(j * L, L)]
            slot = iota + j * L
            better = (v > bv) | ((v == bv) & (ivec < bi))
            return (jnp.where(better, v, bv),
                    jnp.where(better, ivec, bi),
                    jnp.where(better, slot, bs))

        bv, bi, bs = lax.fori_loop(
            0, CAP // L, scan_body,
            (_splat_f(NEG_INF), _splat_i(IMAX), iota))
        mv = jnp.max(bv)
        mi = jnp.min(jnp.where(bv == mv, bi, IMAX))
        sel = (bv == mv) & (bi == mi)
        slot_sel = jnp.min(jnp.where(sel, bs, IMAX))
        lane0 = iota == 0
        plsc.store_scatter(tv, [_splat_i(t)], _splat_f(0) + mv, mask=lane0)
        plsc.store_scatter(ti, [_splat_i(t)], _splat_i(0) + mi, mask=lane0)
        plsc.store_scatter(cv, [_splat_i(0) + slot_sel], _splat_f(NEG_INF),
                           mask=lane0)
        plsc.store_scatter(ci, [_splat_i(0) + slot_sel], _splat_i(IMAX),
                           mask=lane0)
        return 0

    lax.fori_loop(0, TOPK, round_body, 0)

    def clear_body(j, _):
        cv[pl.ds(j * L, L)] = _splat_f(NEG_INF)
        ci[pl.ds(j * L, L)] = _splat_i(IMAX)
        return 0

    lax.fori_loop(0, CAP // L, clear_body, 0)
    for j in range(TOPK // L):
        cv[pl.ds(j * L, L)] = tv[pl.ds(j * L, L)]
        ci[pl.ds(j * L, L)] = ti[pl.ds(j * L, L)]
    cnt_s[0] = TOPK
    tval_s[0] = jnp.min(tv[pl.ds(TOPK - L, L)])


def _phase1_body(x_hbm, cv_out, ci_out, buf, cv, ci, tv, ti, cnt_s, tval_s):
    iota = _iota()
    wid = lax.axis_index("s") * NC + lax.axis_index("c")
    base = wid * PER_W

    def init_body(j, _):
        cv[pl.ds(j * L, L)] = _splat_f(NEG_INF)
        ci[pl.ds(j * L, L)] = _splat_i(IMAX)
        return 0

    lax.fori_loop(0, CAP // L, init_body, 0)
    cnt_s[0] = 0
    tval_s[0] = NEG_INF

    def chunk_body(c, _):
        origin = base + c * CHUNK
        pltpu.sync_copy(x_hbm.at[pl.ds(origin, CHUNK)], buf)

        def group_body(g, _):
            gbase = g * (L * GROUP)
            tval = tval_s[0]
            vs = [buf[pl.ds(gbase + k * L, L)] for k in range(GROUP)]
            acc = vs[0]
            for k in range(1, GROUP):
                acc = jnp.maximum(acc, vs[k])
            mx = jnp.max(acc)

            @pl.when(mx >= tval)
            def _():
                for k in range(GROUP):
                    v = vs[k]
                    m = v >= tval
                    csum = jnp.cumsum(m.astype(jnp.int32))
                    pos = cnt_s[0] + csum - 1
                    idxv = iota + (origin + gbase + k * L)
                    plsc.store_scatter(cv, [pos], v, mask=m)
                    plsc.store_scatter(ci, [pos], idxv, mask=m)
                    cnt_s[0] = cnt_s[0] + jnp.max(csum)

                @pl.when(cnt_s[0] > CAP - L * GROUP)
                def _():
                    _compact(cv, ci, tv, ti, cnt_s, tval_s)

            return 0

        lax.fori_loop(0, NG, group_body, 0)
        return 0

    lax.fori_loop(0, NCHUNK, chunk_body, 0)
    _compact(cv, ci, tv, ti, cnt_s, tval_s)
    pltpu.sync_copy(tv, cv_out.at[pl.ds(wid * TOPK, TOPK)])
    pltpu.sync_copy(ti, ci_out.at[pl.ds(wid * TOPK, TOPK)])


def _phase2_body(cv_hbm, ci_hbm, y_hbm, mv, mi, win, zbuf):
    iota = _iota()
    wid = lax.axis_index("s") * NC + lax.axis_index("c")
    base = wid * PER_W
    total = NW * TOPK
    pltpu.sync_copy(cv_hbm, mv)
    pltpu.sync_copy(ci_hbm, mi)

    def zero_body(j, _):
        zbuf[pl.ds(j * L, L)] = _splat_f(0.0)
        return 0

    lax.fori_loop(0, CHUNK // L, zero_body, 0)
    for j in range(TOPK // L):
        win[pl.ds(j * L, L)] = _splat_i(-1)

    lane0 = iota == 0

    def round_body(t, _):
        def scan_body(j, carry):
            bv, bi, bs = carry
            v = mv[pl.ds(j * L, L)]
            ivec = mi[pl.ds(j * L, L)]
            slot = iota + j * L
            better = (v > bv) | ((v == bv) & (ivec < bi))
            return (jnp.where(better, v, bv),
                    jnp.where(better, ivec, bi),
                    jnp.where(better, slot, bs))

        bv, bi, bs = lax.fori_loop(
            0, total // L, scan_body,
            (_splat_f(NEG_INF), _splat_i(IMAX), iota))
        mvx = jnp.max(bv)
        mix = jnp.min(jnp.where(bv == mvx, bi, IMAX))
        sel = (bv == mvx) & (bi == mix)
        slot_sel = jnp.min(jnp.where(sel, bs, IMAX))
        plsc.store_scatter(win, [_splat_i(t)], _splat_i(0) + mix, mask=lane0)
        plsc.store_scatter(mv, [_splat_i(0) + slot_sel], _splat_f(NEG_INF),
                           mask=lane0)
        plsc.store_scatter(mi, [_splat_i(0) + slot_sel], _splat_i(IMAX),
                           mask=lane0)
        return 0

    lax.fori_loop(0, K, round_body, 0)

    ws = [win[pl.ds(j * L, L)] for j in range(TOPK // L)]

    def chunk_body(c, _):
        lo = base + c * CHUNK
        masks = [(w >= lo) & (w < lo + CHUNK) for w in ws]
        anym = masks[0]
        for m in masks[1:]:
            anym = anym | m
        has = jnp.max(anym.astype(jnp.int32))

        @pl.when(has > 0)
        def _():
            for w, m in zip(ws, masks):
                loc = jnp.where(m, w - lo, 0)
                plsc.store_scatter(zbuf, [loc], _splat_f(1.0), mask=m)

        pltpu.sync_copy(zbuf, y_hbm.at[pl.ds(lo, CHUNK)])

        @pl.when(has > 0)
        def _():
            for w, m in zip(ws, masks):
                loc = jnp.where(m, w - lo, 0)
                plsc.store_scatter(zbuf, [loc], _splat_f(0.0), mask=m)

        return 0

    lax.fori_loop(0, NCHUNK, chunk_body, 0)


def _make_phase1():
    mesh = plsc.VectorSubcoreMesh(core_axis_name="c", subcore_axis_name="s")
    return functools.partial(
        pl.kernel,
        mesh=mesh,
        compiler_params=pltpu.CompilerParams(needs_layout_passes=False),
        out_type=[
            jax.ShapeDtypeStruct((NW * TOPK,), jnp.float32),
            jax.ShapeDtypeStruct((NW * TOPK,), jnp.int32),
        ],
        scratch_types=[
            pltpu.VMEM((CHUNK,), jnp.float32),
            pltpu.VMEM((CAP,), jnp.float32),
            pltpu.VMEM((CAP,), jnp.int32),
            pltpu.VMEM((TOPK,), jnp.float32),
            pltpu.VMEM((TOPK,), jnp.int32),
            pltpu.SMEM((1,), jnp.int32),
            pltpu.SMEM((1,), jnp.float32),
        ],
    )(_phase1_body)


def _make_phase2():
    mesh = plsc.VectorSubcoreMesh(core_axis_name="c", subcore_axis_name="s")
    return functools.partial(
        pl.kernel,
        mesh=mesh,
        compiler_params=pltpu.CompilerParams(needs_layout_passes=False),
        out_type=jax.ShapeDtypeStruct((N,), jnp.float32),
        scratch_types=[
            pltpu.VMEM((NW * TOPK,), jnp.float32),
            pltpu.VMEM((NW * TOPK,), jnp.int32),
            pltpu.VMEM((TOPK,), jnp.int32),
            pltpu.VMEM((CHUNK,), jnp.float32),
        ],
    )(_phase2_body)


_phase1 = _make_phase1()
_phase2 = _make_phase2()


def kernel(x):
    cand_v, cand_i = _phase1(x)
    return _phase2(cand_v, cand_i)

# --- scband reference (transcript-rebuilt; emitter-appended) ---
"""Pipeline reference for scband-kwinners-take-all-901943132266 (READ-ONLY COPY).

The authoritative reference and input builder live on the scoring server;
editing this copy changes nothing except your own understanding.
"""

import jax, jax.numpy as jnp
import numpy as np

K_ACTIVE = 50

def setup_inputs(seed: int = 0) -> dict:
    key = jax.random.key(seed)
    x = jax.random.normal(key, (8388608,), dtype=jnp.float32)
    return {"x": x}

def reference(x):
    # torch: winners = x.topk(k=k_active, sorted=False).indices
    #        y = torch.zeros_like(x); y[winners] = 1
    _, winners = jax.lax.top_k(x, K_ACTIVE)
    y = jnp.zeros_like(x)
    y = y.at[winners].set(1.0)
    return y

if __name__ == "__main__":
    import jax
    _d = setup_inputs()
    print(jax.jit(kernel)(*tuple(_d.values())))

</pallas_src>

<mosaic_0001>
#map = affine_map<(d0, d1) -> (0)>
module attributes {stable_mosaic.version = 14 : i64} {
  func.func @_phase1_body(%arg0: i32, %arg1: i32, %arg2: memref<8388608xf32, #tpu.memory_space<hbm>>, %arg3: memref<2048xf32, #tpu.memory_space<hbm>>, %arg4: memref<2048xi32, #tpu.memory_space<hbm>>, %arg5: memref<32768xf32, #tpu.memory_space<vmem>>, %arg6: memref<1024xf32, #tpu.memory_space<vmem>>, %arg7: memref<1024xi32, #tpu.memory_space<vmem>>, %arg8: memref<64xf32, #tpu.memory_space<vmem>>, %arg9: memref<64xi32, #tpu.memory_space<vmem>>, %arg10: memref<1xi32, #tpu.memory_space<smem>>, %arg11: memref<1xf32, #tpu.memory_space<smem>>) attributes {dimension_semantics = [#tpu.dimension_semantics<core_parallel>, #tpu.dimension_semantics<subcore_parallel>], iteration_bounds = array<i64: 2, 16>, scalar_prefetch = 0 : i64, scratch_operands = 7 : i64, tpu.core_type = #tpu.core_type<sc_vector_subcore>, window_params = [{transform_indices = #map}, {transform_indices = #map}, {transform_indices = #map}]} {
    %iota3A = tpu.iota {dimensions = array<i32: 0>} : vector<16xi32>
    %mul3A = arith.constant 2 : i32
    %mul3A_0 = arith.muli %arg1, %mul3A : i32
    %add3A = arith.addi %mul3A_0, %arg0 : i32
    %mul3A_1 = arith.constant 262144 : i32
    %mul3A_2 = arith.muli %add3A, %mul3A_1 : i32
    %scan3A = arith.constant 0 : i32
    %scan3A_3 = arith.constant 0 : i32
    %scan3A_4 = arith.constant 64 : i32
    %scan3A_5 = arith.addi %scan3A_3, %scan3A_4 : i32
    %scan3A_6 = arith.constant 1 : i32
    %scan3A_7 = scf.for %scan3A_85 = %scan3A_3 to %scan3A_5 step %scan3A_6 iter_args(%scan3A_86 = %scan3A) -> (i32)  : i32 {
      %broadcast_in_dim3A = arith.constant 0xFF800000 : f32
      %broadcast_in_dim3A_87 = vector.broadcast %broadcast_in_dim3A : f32 to vector<16xf32>
      %mul3A_88 = arith.constant 16 : i32
      %mul3A_89 = arith.muli %scan3A_85, %mul3A_88 : i32
      %swap3A_90 = arith.index_cast %mul3A_89 : i32 to index
      %swap3A_91 = tpu.vector_load %arg6[%swap3A_90] {strides = array<i32>} : memref<1024xf32, #tpu.memory_space<vmem>>, vector<16xf32>,
      tpu.vector_store %arg6[%swap3A_90], %broadcast_in_dim3A_87 {strides = array<i32>} : memref<1024xf32, #tpu.memory_space<vmem>>, vector<16xf32>,
      %broadcast_in_dim3A_92 = arith.constant 2147483647 : i32
      %broadcast_in_dim3A_93 = vector.broadcast %broadcast_in_dim3A_92 : i32 to vector<16xi32>
      %mul3A_94 = arith.constant 16 : i32
      %mul3A_95 = arith.muli %scan3A_85, %mul3A_94 : i32
      %swap3A_96 = arith.index_cast %mul3A_95 : i32 to index
      %swap3A_97 = tpu.vector_load %arg7[%swap3A_96] {strides = array<i32>} : memref<1024xi32, #tpu.memory_space<vmem>>, vector<16xi32>,
      tpu.vector_store %arg7[%swap3A_96], %broadcast_in_dim3A_93 {strides = array<i32>} : memref<1024xi32, #tpu.memory_space<vmem>>, vector<16xi32>,
      %scan3A_98 = arith.constant 0 : i32
      scf.yield %scan3A_98 : i32
    }
    %scan3A_8 = arith.constant 64 : i32
    %swap3A = arith.constant 0 : i32
    %swap3A_9 = arith.constant 0 : i32
    %swap3A_10 = arith.index_cast %swap3A_9 : i32 to index
    %swap3A_11 = memref.load %arg10[%swap3A_10] : memref<1xi32, #tpu.memory_space<smem>>
    memref.store %swap3A, %arg10[%swap3A_10] : memref<1xi32, #tpu.memory_space<smem>>
    %swap3A_12 = arith.constant 0xFF800000 : f32
    %swap3A_13 = arith.constant 0 : i32
    %swap3A_14 = arith.index_cast %swap3A_13 : i32 to index
    %swap3A_15 = memref.load %arg11[%swap3A_14] : memref<1xf32, #tpu.memory_space<smem>>
    memref.store %swap3A_12, %arg11[%swap3A_14] : memref<1xf32, #tpu.memory_space<smem>>
    %scan3A_16 = arith.constant 0 : i32
    %scan3A_17 = arith.constant 0 : i32
    %scan3A_18 = arith.constant 8 : i32
    %scan3A_19 = arith.addi %scan3A_17, %scan3A_18 : i32
    %scan3A_20 = arith.constant 1 : i32
    %scan3A_21 = scf.for %scan3A_85 = %scan3A_17 to %scan3A_19 step %scan3A_20 iter_args(%scan3A_86 = %scan3A_16) -> (i32)  : i32 {
      %mul3A_87 = arith.constant 32768 : i32
      %mul3A_88 = arith.muli %scan3A_85, %mul3A_87 : i32
      %add3A_89 = arith.addi %mul3A_2, %mul3A_88 : i32
      "tpu.region"() ({
        %run_scoped3A = tpu.sem_alloc : memref<!tpu.dma_semaphore, #tpu.memory_space<semaphore_mem>>
        %dma_start3A = tpu.memref_slice %arg2[%add3A_89] : memref<8388608xf32, #tpu.memory_space<hbm>> -> memref<32768xf32, #tpu.memory_space<hbm>>
        %dma_start3A_98 = tpu.memref_slice %arg2[%add3A_89] : memref<8388608xf32, #tpu.memory_space<hbm>> -> memref<32768xf32, #tpu.memory_space<hbm>>
        tpu.enqueue_dma source(%dma_start3A_98 : memref<32768xf32, #tpu.memory_space<hbm>>) target(%arg5 : memref<32768xf32, #tpu.memory_space<vmem>>) target_semaphore(%run_scoped3A : memref<!tpu.dma_semaphore, #tpu.memory_space<semaphore_mem>>)
        %dma_wait3A = tpu.memref_slice %arg2[%add3A_89] : memref<8388608xf32, #tpu.memory_space<hbm>> -> memref<32768xf32, #tpu.memory_space<hbm>>
        %dma_wait3A_99 = tpu.memref_slice %arg2[%add3A_89] : memref<8388608xf32, #tpu.memory_space<hbm>> -> memref<32768xf32, #tpu.memory_space<hbm>>
        tpu.wait_dma2 semaphore(%run_scoped3A : memref<!tpu.dma_semaphore, #tpu.memory_space<semaphore_mem>>) src(%dma_wait3A_99 : memref<32768xf32, #tpu.memory_space<hbm>>) dst(%arg5 : memref<32768xf32, #tpu.memory_space<vmem>>)
        tpu.yield
      }) : () -> ()
      %scan3A_90 = arith.constant 0 : i32
      %scan3A_91 = arith.constant 0 : i32
      %scan3A_92 = arith.constant 256 : i32
      %scan3A_93 = arith.addi %scan3A_91, %scan3A_92 : i32
      %scan3A_94 = arith.constant 1 : i32
      %scan3A_95 = scf.for %scan3A_98 = %scan3A_91 to %scan3A_93 step %scan3A_94 iter_args(%scan3A_99 = %scan3A_90) -> (i32)  : i32 {
        %mul3A_100 = arith.constant 128 : i32
        %mul3A_101 = arith.muli %scan3A_98, %mul3A_100 : i32
        %get3A_102 = arith.constant 0 : i32
        %get3A_103 = arith.index_cast %get3A_102 : i32 to index
        %get3A_104 = memref.load %arg11[%get3A_103] : memref<1xf32, #tpu.memory_space<smem>>
        %add3A_105 = arith.constant 0 : i32
        %add3A_106 = arith.addi %mul3A_101, %add3A_105 : i32
        %get3A_107 = arith.index_cast %add3A_106 : i32 to index
        %get3A_108 = tpu.vector_load %arg5[%get3A_107] {strides = array<i32>} : memref<32768xf32, #tpu.memory_space<vmem>>, vector<16xf32>,
        %add3A_109 = arith.constant 16 : i32
        %add3A_110 = arith.addi %mul3A_101, %add3A_109 : i32
        %get3A_111 = arith.index_cast %add3A_110 : i32 to index
        %get3A_112 = tpu.vector_load %arg5[%get3A_111] {strides = array<i32>} : memref<32768xf32, #tpu.memory_space<vmem>>, vector<16xf32>,
        %add3A_113 = arith.constant 32 : i32
        %add3A_114 = arith.addi %mul3A_101, %add3A_113 : i32
        %get3A_115 = arith.index_cast %add3A_114 : i32 to index
        %get3A_116 = tpu.vector_load %arg5[%get3A_115] {strides = array<i32>} : memref<32768xf32, #tpu.memory_space<vmem>>, vector<16xf32>,
        %add3A_117 = arith.constant 48 : i32
        %add3A_118 = arith.addi %mul3A_101, %add3A_117 : i32
        %get3A_119 = arith.index_cast %add3A_118 : i32 to index
        %get3A_120 = tpu.vector_load %arg5[%get3A_119] {strides = array<i32>} : memref<32768xf32, #tpu.memory_space<vmem>>, vector<16xf32>,
        %add3A_121 = arith.constant 64 : i32
        %add3A_122 = arith.addi %mul3A_101, %add3A_121 : i32
        %get3A_123 = arith.index_cast %add3A_122 : i32 to index
        %get3A_124 = tpu.vector_load %arg5[%get3A_123] {strides = array<i32>} : memref<32768xf32, #tpu.memory_space<vmem>>, vector<16xf32>,
        %add3A_125 = arith.constant 80 : i32
        %add3A_126 = arith.addi %mul3A_101, %add3A_125 : i32
        %get3A_127 = arith.index_cast %add3A_126 : i32 to index
        %get3A_128 = tpu.vector_load %arg5[%get3A_127] {strides = array<i32>} : memref<32768xf32, #tpu.memory_space<vmem>>, vector<16xf32>,
        %add3A_129 = arith.constant 96 : i32
        %add3A_130 = arith.addi %mul3A_101, %add3A_129 : i32
        %get3A_131 = arith.index_cast %add3A_130 : i32 to index
        %get3A_132 = tpu.vector_load %arg5[%get3A_131] {strides = array<i32>} : memref<32768xf32, #tpu.memory_space<vmem>>, vector<16xf32>,
        %add3A_133 = arith.constant 112 : i32
        %add3A_134 = arith.addi %mul3A_101, %add3A_133 : i32
        %get3A_135 = arith.index_cast %add3A_134 : i32 to index
        %get3A_136 = tpu.vector_load %arg5[%get3A_135] {strides = array<i32>} : memref<32768xf32, #tpu.memory_space<vmem>>, vector<16xf32>,
        %max3A = arith.maximumf %get3A_108, %get3A_112 : vector<16xf32>
        %max3A_137 = arith.maximumf %max3A, %get3A_116 : vector<16xf32>
        %max3A_138 = arith.maximumf %max3A_137, %get3A_120 : vector<16xf32>
        %max3A_139 = arith.maximumf %max3A_138, %get3A_124 : vector<16xf32>
        %max3A_140 = arith.maximumf %max3A_139, %get3A_128 : vector<16xf32>
        %max3A_141 = arith.maximumf %max3A_140, %get3A_132 : vector<16xf32>
        %max3A_142 = arith.maximumf %max3A_141, %get3A_136 : vector<16xf32>
        %reduce_max3A = arith.constant true
        %reduce_max3A_143 = vector.broadcast %reduce_max3A : i1 to vector<16xi1>
        %reduce_max3A_144 = tpu.scan <max>, %max3A_142 masked %reduce_max3A_143 : vector<16xf32>, vector<16xi1> -> vector<16xf32>
        %reduce_max3A_145 = vector.extract %reduce_max3A_144[15] : f32 from vector<16xf32>
        %ge3A = arith.cmpf oge, %reduce_max3A_145, %get3A_104 : f32
        %convert_element_type3A = arith.extui %ge3A : i1 to i32
        %cond3A = arith.constant 0 : i32
        %cond3A_146 = arith.cmpi ne, %convert_element_type3A, %cond3A : i32
        scf.if %cond3A_146 {
          %ge3A_148 = vector.broadcast %get3A_104 : f32 to vector<16xf32>
          %ge3A_149 = arith.cmpf oge, %get3A_108, %ge3A_148 : vector<16xf32>
          %convert_element_type3A_150 = arith.extui %ge3A_149 : vector<16xi1> to vector<16xi32>
          %cumsum3A = arith.constant true
          %cumsum3A_151 = vector.broadcast %cumsum3A : i1 to vector<16xi1>
          %cumsum3A_152 = tpu.scan <sum>, %convert_element_type3A_150 masked %cumsum3A_151 : vector<16xi32>, vector<16xi1> -> vector<16xi32>
          %get3A_153 = arith.constant 0 : i32
          %get3A_154 = arith.index_cast %get3A_153 : i32 to index
          %get3A_155 = memref.load %arg10[%get3A_154] : memref<1xi32, #tpu.memory_space<smem>>
          %add3A_156 = vector.broadcast %get3A_155 : i32 to vector<16xi32>
          %add3A_157 = arith.addi %add3A_156, %cumsum3A_152 : vector<16xi32>
          %sub3A = arith.constant 1 : i32
          %sub3A_158 = vector.broadcast %sub3A : i32 to vector<16xi32>
          %sub3A_159 = arith.subi %add3A_157, %sub3A_158 : vector<16xi32>
          %add3A_160 = arith.addi %add3A_89, %mul3A_101 : i32
          %add3A_161 = arith.constant 0 : i32
          %add3A_162 = arith.addi %add3A_160, %add3A_161 : i32
          %add3A_163 = vector.broadcast %add3A_162 : i32 to vector<16xi32>
          %add3A_164 = arith.addi %iota3A, %add3A_163 : vector<16xi32>
          tpu.vector_store_idx %arg6[%sub3A_159], %get3A_108 masked %ge3A_149 : memref<1024xf32, #tpu.memory_space<vmem>>[vector<16xi32>], vector<16xf32>, vector<16xi1>
          tpu.vector_store_idx %arg7[%sub3A_159], %add3A_164 masked %ge3A_149 : memref<1024xi32, #tpu.memory_space<vmem>>[vector<16xi32>], vector<16xi32>, vector<16xi1>
          %get3A_165 = arith.constant 0 : i32
          %get3A_166 = arith.index_cast %get3A_165 : i32 to index
          %get3A_167 = memref.load %arg10[%get3A_166] : memref<1xi32, #tpu.memory_space<smem>>
          %reduce_max3A_168 = arith.constant true
          %reduce_max3A_169 = vector.broadcast %reduce_max3A_168 : i1 to vector<16xi1>
          %reduce_max3A_170 = arith.constant -2147483648 : i32
          %reduce_max3A_171 = vector.broadcast %reduce_max3A_170 : i32 to vector<16xi32>
          %reduce_max3A_172 = arith.xori %cumsum3A_152, %reduce_max3A_171 : vector<16xi32>
          %reduce_max3A_173 = tpu.scan <max>, %reduce_max3A_172 masked %reduce_max3A_169 : vector<16xi32>, vector<16xi1> -> vector<16xi32>
          %reduce_max3A_174 = arith.xori %reduce_max3A_173, %reduce_max3A_171 : vector<16xi32>
          %reduce_max3A_175 = vector.extract %reduce_max3A_174[15] : i32 from vector<16xi32>
          %add3A_176 = arith.addi %get3A_167, %reduce_max3A_175 : i32
          %swap3A_177 = arith.constant 0 : i32
          %swap3A_178 = arith.index_cast %swap3A_177 : i32 to index
          %swap3A_179 = memref.load %arg10[%swap3A_178] : memref<1xi32, #tpu.memory_space<smem>>
          memref.store %add3A_176, %arg10[%swap3A_178] : memref<1xi32, #tpu.memory_space<smem>>
          %ge3A_180 = vector.broadcast %get3A_104 : f32 to vector<16xf32>
          %ge3A_181 = arith.cmpf oge, %get3A_112, %ge3A_180 : vector<16xf32>
          %convert_element_type3A_182 = arith.extui %ge3A_181 : vector<16xi1> to vector<16xi32>
          %cumsum3A_183 = arith.constant true
          %cumsum3A_184 = vector.broadcast %cumsum3A_183 : i1 to vector<16xi1>
          %cumsum3A_185 = tpu.scan <sum>, %convert_element_type3A_182 masked %cumsum3A_184 : vector<16xi32>, vector<16xi1> -> vector<16xi32>
          %get3A_186 = arith.constant 0 : i32
          %get3A_187 = arith.index_cast %get3A_186 : i32 to index
          %get3A_188 = memref.load %arg10[%get3A_187] : memref<1xi32, #tpu.memory_space<smem>>
          %add3A_189 = vector.broadcast %get3A_188 : i32 to vector<16xi32>
          %add3A_190 = arith.addi %add3A_189, %cumsum3A_185 : vector<16xi32>
          %sub3A_191 = arith.constant 1 : i32
          %sub3A_192 = vector.broadcast %sub3A_191 : i32 to vector<16xi32>
          %sub3A_193 = arith.subi %add3A_190, %sub3A_192 : vector<16xi32>
          %add3A_194 = arith.addi %add3A_89, %mul3A_101 : i32
          %add3A_195 = arith.constant 16 : i32
          %add3A_196 = arith.addi %add3A_194, %add3A_195 : i32
          %add3A_197 = vector.broadcast %add3A_196 : i32 to vector<16xi32>
          %add3A_198 = arith.addi %iota3A, %add3A_197 : vector<16xi32>
          tpu.vector_store_idx %arg6[%sub3A_193], %get3A_112 masked %ge3A_181 : memref<1024xf32, #tpu.memory_space<vmem>>[vector<16xi32>], vector<16xf32>, vector<16xi1>
          tpu.vector_store_idx %arg7[%sub3A_193], %add3A_198 masked %ge3A_181 : memref<1024xi32, #tpu.memory_space<vmem>>[vector<16xi32>], vector<16xi32>, vector<16xi1>
          %get3A_199 = arith.constant 0 : i32
          %get3A_200 = arith.index_cast %get3A_199 : i32 to index
          %get3A_201 = memref.load %arg10[%get3A_200] : memref<1xi32, #tpu.memory_space<smem>>
          %reduce_max3A_202 = arith.constant true
          %reduce_max3A_203 = vector.broadcast %reduce_max3A_202 : i1 to vector<16xi1>
          %reduce_max3A_204 = arith.constant -2147483648 : i32
          %reduce_max3A_205 = vector.broadcast %reduce_max3A_204 : i32 to vector<16xi32>
          %reduce_max3A_206 = arith.xori %cumsum3A_185, %reduce_max3A_205 : vector<16xi32>
          %reduce_max3A_207 = tpu.scan <max>, %reduce_max3A_206 masked %reduce_max3A_203 : vector<16xi32>, vector<16xi1> -> vector<16xi32>
          %reduce_max3A_208 = arith.xori %reduce_max3A_207, %reduce_max3A_205 : vector<16xi32>
          %reduce_max3A_209 = vector.extract %reduce_max3A_208[15] : i32 from vector<16xi32>
          %add3A_210 = arith.addi %get3A_201, %reduce_max3A_209 : i32
          %swap3A_211 = arith.constant 0 : i32
          %swap3A_212 = arith.index_cast %swap3A_211 : i32 to index
          %swap3A_213 = memref.load %arg10[%swap3A_212] : memref<1xi32, #tpu.memory_space<smem>>
          memref.store %add3A_210, %arg10[%swap3A_212] : memref<1xi32, #tpu.memory_space<smem>>
          %ge3A_214 = vector.broadcast %get3A_104 : f32 to vector<16xf32>
          %ge3A_215 = arith.cmpf oge, %get3A_116, %ge3A_214 : vector<16xf32>
          %convert_element_type3A_216 = arith.extui %ge3A_215 : vector<16xi1> to vector<16xi32>
          %cumsum3A_217 = arith.constant true
          %cumsum3A_218 = vector.broadcast %cumsum3A_217 : i1 to vector<16xi1>
          %cumsum3A_219 = tpu.scan <sum>, %convert_element_type3A_216 masked %cumsum3A_218 : vector<16xi32>, vector<16xi1> -> vector<16xi32>
          %get3A_220 = arith.constant 0 : i32
          %get3A_221 = arith.index_cast %get3A_220 : i32 to index
          %get3A_222 = memref.load %arg10[%get3A_221] : memref<1xi32, #tpu.memory_space<smem>>
          %add3A_223 = vector.broadcast %get3A_222 : i32 to vector<16xi32>
          %add3A_224 = arith.addi %add3A_223, %cumsum3A_219 : vector<16xi32>
          %sub3A_225 = arith.constant 1 : i32
          %sub3A_226 = vector.broadcast %sub3A_225 : i32 to vector<16xi32>
          %sub3A_227 = arith.subi %add3A_224, %sub3A_226 : vector<16xi32>
          %add3A_228 = arith.addi %add3A_89, %mul3A_101 : i32
          %add3A_229 = arith.constant 32 : i32
          %add3A_230 = arith.addi %add3A_228, %add3A_229 : i32
          %add3A_231 = vector.broadcast %add3A_230 : i32 to vector<16xi32>
          %add3A_232 = arith.addi %iota3A, %add3A_231 : vector<16xi32>
          tpu.vector_store_idx %arg6[%sub3A_227], %get3A_116 masked %ge3A_215 : memref<1024xf32, #tpu.memory_space<vmem>>[vector<16xi32>], vector<16xf32>, vector<16xi1>
          tpu.vector_store_idx %arg7[%sub3A_227], %add3A_232 masked %ge3A_215 : memref<1024xi32, #tpu.memory_space<vmem>>[vector<16xi32>], vector<16xi32>, vector<16xi1>
          %get3A_233 = arith.constant 0 : i32
          %get3A_234 = arith.index_cast %get3A_233 : i32 to index
          %get3A_235 = memref.load %arg10[%get3A_234] : memref<1xi32, #tpu.memory_space<smem>>
          %reduce_max3A_236 = arith.constant true
          %reduce_max3A_237 = vector.broadcast %reduce_max3A_236 : i1 to vector<16xi1>
          %reduce_max3A_238 = arith.constant -2147483648 : i32
          %reduce_max3A_239 = vector.broadcast %reduce_max3A_238 : i32 to vector<16xi32>
          %reduce_max3A_240 = arith.xori %cumsum3A_219, %reduce_max3A_239 : vector<16xi32>
          %reduce_max3A_241 = tpu.scan <max>, %reduce_max3A_240 masked %reduce_max3A_237 : vector<16xi32>, vector<16xi1> -> vector<16xi32>
          %reduce_max3A_242 = arith.xori %reduce_max3A_241, %reduce_max3A_239 : vector<16xi32>
          %reduce_max3A_243 = vector.extract %reduce_max3A_242[15] : i32 from vector<16xi32>
          %add3A_244 = arith.addi %get3A_235, %reduce_max3A_243 : i32
          %swap3A_245 = arith.constant 0 : i32
          %swap3A_246 = arith.index_cast %swap3A_245 : i32 to index
          %swap3A_247 = memref.load %arg10[%swap3A_246] : memref<1xi32, #tpu.memory_space<smem>>
          memref.store %add3A_244, %arg10[%swap3A_246] : memref<1xi32, #tpu.memory_space<smem>>
          %ge3A_248 = vector.broadcast %get3A_104 : f32 to vector<16xf32>
          %ge3A_249 = arith.cmpf oge, %get3A_120, %ge3A_248 : vector<16xf32>
          %convert_element_type3A_250 = arith.extui %ge3A_249 : vector<16xi1> to vector<16xi32>
          %cumsum3A_251 = arith.constant true
          %cumsum3A_252 = vector.broadcast %cumsum3A_251 : i1 to vector<16xi1>
          %cumsum3A_253 = tpu.scan <sum>, %convert_element_type3A_250 masked %cumsum3A_252 : vector<16xi32>, vector<16xi1> -> vector<16xi32>
          %get3A_254 = arith.constant 0 : i32
          %get3A_255 = arith.index_cast %get3A_254 : i32 to index
          %get3A_256 = memref.load %arg10[%get3A_255] : memref<1xi32, #tpu.memory_space<smem>>
          %add3A_257 = vector.broadcast %get3A_256 : i32 to vector<16xi32>
          %add3A_258 = arith.addi %add3A_257, %cumsum3A_253 : vector<16xi32>
          %sub3A_259 = arith.constant 1 : i32
          %sub3A_260 = vector.broadcast %sub3A_259 : i32 to vector<16xi32>
          %sub3A_261 = arith.subi %add3A_258, %sub3A_260 : vector<16xi32>
          %add3A_262 = arith.addi %add3A_89, %mul3A_101 : i32
          %add3A_263 = arith.constant 48 : i32
          %add3A_264 = arith.addi %add3A_262, %add3A_263 : i32
          %add3A_265 = vector.broadcast %add3A_264 : i32 to vector<16xi32>
          %add3A_266 = arith.addi %iota3A, %add3A_265 : vector<16xi32>
          tpu.vector_store_idx %arg6[%sub3A_261], %get3A_120 masked %ge3A_249 : memref<1024xf32, #tpu.memory_space<vmem>>[vector<16xi32>], vector<16xf32>, vector<16xi1>
          tpu.vector_store_idx %arg7[%sub3A_261], %add3A_266 masked %ge3A_249 : memref<1024xi32, #tpu.memory_space<vmem>>[vector<16xi32>], vector<16xi32>, vector<16xi1>
          %get3A_267 = arith.constant 0 : i32
          %get3A_268 = arith.index_cast %get3A_267 : i32 to index
          %get3A_269 = memref.load %arg10[%get3A_268] : memref<1xi32, #tpu.memory_space<smem>>
          %reduce_max3A_270 = arith.constant true
          %reduce_max3A_271 = vector.broadcast %reduce_max3A_270 : i1 to vector<16xi1>
          %reduce_max3A_272 = arith.constant -2147483648 : i32
          %reduce_max3A_273 = vector.broadcast %reduce_max3A_272 : i32 to vector<16xi32>
          %reduce_max3A_274 = arith.xori %cumsum3A_253, %reduce_max3A_273 : vector<16xi32>
          %reduce_max3A_275 = tpu.scan <max>, %reduce_max3A_274 masked %reduce_max3A_271 : vector<16xi32>, vector<16xi1> -> vector<16xi32>
          %reduce_max3A_276 = arith.xori %reduce_max3A_275, %reduce_max3A_273 : vector<16xi32>
          %reduce_max3A_277 = vector.extract %reduce_max3A_276[15] : i32 from vector<16xi32>
          %add3A_278 = arith.addi %get3A_269, %reduce_max3A_277 : i32
          %swap3A_279 = arith.constant 0 : i32
          %swap3A_280 = arith.index_cast %swap3A_279 : i32 to index
          %swap3A_281 = memref.load %arg10[%swap3A_280] : memref<1xi32, #tpu.memory_space<smem>>
          memref.store %add3A_278, %arg10[%swap3A_280] : memref<1xi32, #tpu.memory_space<smem>>
          %ge3A_282 = vector.broadcast %get3A_104 : f32 to vector<16xf32>
          %ge3A_283 = arith.cmpf oge, %get3A_124, %ge3A_282 : vector<16xf32>
          %convert_element_type3A_284 = arith.extui %ge3A_283 : vector<16xi1> to vector<16xi32>
          %cumsum3A_285 = arith.constant true
          %cumsum3A_286 = vector.broadcast %cumsum3A_285 : i1 to vector<16xi1>
          %cumsum3A_287 = tpu.scan <sum>, %convert_element_type3A_284 masked %cumsum3A_286 : vector<16xi32>, vector<16xi1> -> vector<16xi32>
          %get3A_288 = arith.constant 0 : i32
          %get3A_289 = arith.index_cast %get3A_288 : i32 to index
          %get3A_290 = memref.load %arg10[%get3A_289] : memref<1xi32, #tpu.memory_space<smem>>
          %add3A_291 = vector.broadcast %get3A_290 : i32 to vector<16xi32>
          %add3A_292 = arith.addi %add3A_291, %cumsum3A_287 : vector<16xi32>
          %sub3A_293 = arith.constant 1 : i32
          %sub3A_294 = vector.broadcast %sub3A_293 : i32 to vector<16xi32>
          %sub3A_295 = arith.subi %add3A_292, %sub3A_294 : vector<16xi32>
          %add3A_296 = arith.addi %add3A_89, %mul3A_101 : i32
          %add3A_297 = arith.constant 64 : i32
          %add3A_298 = arith.addi %add3A_296, %add3A_297 : i32
          %add3A_299 = vector.broadcast %add3A_298 : i32 to vector<16xi32>
          %add3A_300 = arith.addi %iota3A, %add3A_299 : vector<16xi32>
          tpu.vector_store_idx %arg6[%sub3A_295], %get3A_124 masked %ge3A_283 : memref<1024xf32, #tpu.memory_space<vmem>>[vector<16xi32>], vector<16xf32>, vector<16xi1>
          tpu.vector_store_idx %arg7[%sub3A_295], %add3A_300 masked %ge3A_283 : memref<1024xi32, #tpu.memory_space<vmem>>[vector<16xi32>], vector<16xi32>, vector<16xi1>
          %get3A_301 = arith.constant 0 : i32
          %get3A_302 = arith.index_cast %get3A_301 : i32 to index
          %get3A_303 = memref.load %arg10[%get3A_302] : memref<1xi32, #tpu.memory_space<smem>>
          %reduce_max3A_304 = arith.constant true
          %reduce_max3A_305 = vector.broadcast %reduce_max3A_304 : i1 to vector<16xi1>
          %reduce_max3A_306 = arith.constant -2147483648 : i32
          %reduce_max3A_307 = vector.broadcast %reduce_max3A_306 : i32 to vector<16xi32>
          %reduce_max3A_308 = arith.xori %cumsum3A_287, %reduce_max3A_307 : vector<16xi32>
          %reduce_max3A_309 = tpu.scan <max>, %reduce_max3A_308 masked %reduce_max3A_305 : vector<16xi32>, vector<16xi1> -> vector<16xi32>
          %reduce_max3A_310 = arith.xori %reduce_max3A_309, %reduce_max3A_307 : vector<16xi32>
          %reduce_max3A_311 = vector.extract %reduce_max3A_310[15] : i32 from vector<16xi32>
          %add3A_312 = arith.addi %get3A_303, %reduce_max3A_311 : i32
          %swap3A_313 = arith.constant 0 : i32
          %swap3A_314 = arith.index_cast %swap3A_313 : i32 to index
          %swap3A_315 = memref.load %arg10[%swap3A_314] : memref<1xi32, #tpu.memory_space<smem>>
          memref.store %add3A_312, %arg10[%swap3A_314] : memref<1xi32, #tpu.memory_space<smem>>
          %ge3A_316 = vector.broadcast %get3A_104 : f32 to vector<16xf32>
          %ge3A_317 = arith.cmpf oge, %get3A_128, %ge3A_316 : vector<16xf32>
          %convert_element_type3A_318 = arith.extui %ge3A_317 : vector<16xi1> to vector<16xi32>
          %cumsum3A_319 = arith.constant true
          %cumsum3A_320 = vector.broadcast %cumsum3A_319 : i1 to vector<16xi1>
          %cumsum3A_321 = tpu.scan <sum>, %convert_element_type3A_318 masked %cumsum3A_320 : vector<16xi32>, vector<16xi1> -> vector<16xi32>
          %get3A_322 = arith.constant 0 : i32
          %get3A_323 = arith.index_cast %get3A_322 : i32 to index
          %get3A_324 = memref.load %arg10[%get3A_323] : memref<1xi32, #tpu.memory_space<smem>>
          %add3A_325 = vector.broadcast %get3A_324 : i32 to vector<16xi32>
          %add3A_326 = arith.addi %add3A_325, %cumsum3A_321 : vector<16xi32>
          %sub3A_327 = arith.constant 1 : i32
          %sub3A_328 = vector.broadcast %sub3A_327 : i32 to vector<16xi32>
          %sub3A_329 = arith.subi %add3A_326, %sub3A_328 : vector<16xi32>
          %add3A_330 = arith.addi %add3A_89, %mul3A_101 : i32
          %add3A_331 = arith.constant 80 : i32
          %add3A_332 = arith.addi %add3A_330, %add3A_331 : i32
          %add3A_333 = vector.broadcast %add3A_332 : i32 to vector<16xi32>
          %add3A_334 = arith.addi %iota3A, %add3A_333 : vector<16xi32>
          tpu.vector_store_idx %arg6[%sub3A_329], %get3A_128 masked %ge3A_317 : memref<1024xf32, #tpu.memory_space<vmem>>[vector<16xi32>], vector<16xf32>, vector<16xi1>
          tpu.vector_store_idx %arg7[%sub3A_329], %add3A_334 masked %ge3A_317 : memref<1024xi32, #tpu.memory_space<vmem>>[vector<16xi32>], vector<16xi32>, vector<16xi1>
          %get3A_335 = arith.constant 0 : i32
          %get3A_336 = arith.index_cast %get3A_335 : i32 to index
          %get3A_337 = memref.load %arg10[%get3A_336] : memref<1xi32, #tpu.memory_space<smem>>
          %reduce_max3A_338 = arith.constant true
          %reduce_max3A_339 = vector.broadcast %reduce_max3A_338 : i1 to vector<16xi1>
          %reduce_max3A_340 = arith.constant -2147483648 : i32
          %reduce_max3A_341 = vector.broadcast %reduce_max3A_340 : i32 to vector<16xi32>
          %reduce_max3A_342 = arith.xori %cumsum3A_321, %reduce_max3A_341 : vector<16xi32>
          %reduce_max3A_343 = tpu.scan <max>, %reduce_max3A_342 masked %reduce_max3A_339 : vector<16xi32>, vector<16xi1> -> vector<16xi32>
          %reduce_max3A_344 = arith.xori %reduce_max3A_343, %reduce_max3A_341 : vector<16xi32>
          %reduce_max3A_345 = vector.extract %reduce_max3A_344[15] : i32 from vector<16xi32>
          %add3A_346 = arith.addi %get3A_337, %reduce_max3A_345 : i32
          %swap3A_347 = arith.constant 0 : i32
          %swap3A_348 = arith.index_cast %swap3A_347 : i32 to index
          %swap3A_349 = memref.load %arg10[%swap3A_348] : memref<1xi32, #tpu.memory_space<smem>>
          memref.store %add3A_346, %arg10[%swap3A_348] : memref<1xi32, #tpu.memory_space<smem>>
          %ge3A_350 = vector.broadcast %get3A_104 : f32 to vector<16xf32>
          %ge3A_351 = arith.cmpf oge, %get3A_132, %ge3A_350 : vector<16xf32>
          %convert_element_type3A_352 = arith.extui %ge3A_351 : vector<16xi1> to vector<16xi32>
          %cumsum3A_353 = arith.constant true
          %cumsum3A_354 = vector.broadcast %cumsum3A_353 : i1 to vector<16xi1>
          %cumsum3A_355 = tpu.scan <sum>, %convert_element_type3A_352 masked %cumsum3A_354 : vector<16xi32>, vector<16xi1> -> vector<16xi32>
          %get3A_356 = arith.constant 0 : i32
          %get3A_357 = arith.index_cast %get3A_356 : i32 to index
          %get3A_358 = memref.load %arg10[%get3A_357] : memref<1xi32, #tpu.memory_space<smem>>
          %add3A_359 = vector.broadcast %get3A_358 : i32 to vector<16xi32>
          %add3A_360 = arith.addi %add3A_359, %cumsum3A_355 : vector<16xi32>
          %sub3A_361 = arith.constant 1 : i32
          %sub3A_362 = vector.broadcast %sub3A_361 : i32 to vector<16xi32>
          %sub3A_363 = arith.subi %add3A_360, %sub3A_362 : vector<16xi32>
          %add3A_364 = arith.addi %add3A_89, %mul3A_101 : i32
          %add3A_365 = arith.constant 96 : i32
          %add3A_366 = arith.addi %add3A_364, %add3A_365 : i32
          %add3A_367 = vector.broadcast %add3A_366 : i32 to vector<16xi32>
          %add3A_368 = arith.addi %iota3A, %add3A_367 : vector<16xi32>
          tpu.vector_store_idx %arg6[%sub3A_363], %get3A_132 masked %ge3A_351 : memref<1024xf32, #tpu.memory_space<vmem>>[vector<16xi32>], vector<16xf32>, vector<16xi1>
          tpu.vector_store_idx %arg7[%sub3A_363], %add3A_368 masked %ge3A_351 : memref<1024xi32, #tpu.memory_space<vmem>>[vector<16xi32>], vector<16xi32>, vector<16xi1>
          %get3A_369 = arith.constant 0 : i32
          %get3A_370 = arith.index_cast %get3A_369 : i32 to index
          %get3A_371 = memref.load %arg10[%get3A_370] : memref<1xi32, #tpu.memory_space<smem>>
          %reduce_max3A_372 = arith.constant true
          %reduce_max3A_373 = vector.broadcast %reduce_max3A_372 : i1 to vector<16xi1>
          %reduce_max3A_374 = arith.constant -2147483648 : i32
          %reduce_max3A_375 = vector.broadcast %reduce_max3A_374 : i32 to vector<16xi32>
          %reduce_max3A_376 = arith.xori %cumsum3A_355, %reduce_max3A_375 : vector<16xi32>
          %reduce_max3A_377 = tpu.scan <max>, %reduce_max3A_376 masked %reduce_max3A_373 : vector<16xi32>, vector<16xi1> -> vector<16xi32>
          %reduce_max3A_378 = arith.xori %reduce_max3A_377, %reduce_max3A_375 : vector<16xi32>
          %reduce_max3A_379 = vector.extract %reduce_max3A_378[15] : i32 from vector<16xi32>
          %add3A_380 = arith.addi %get3A_371, %reduce_max3A_379 : i32
          %swap3A_381 = arith.constant 0 : i32
          %swap3A_382 = arith.index_cast %swap3A_381 : i32 to index
          %swap3A_383 = memref.load %arg10[%swap3A_382] : memref<1xi32, #tpu.memory_space<smem>>
          memref.store %add3A_380, %arg10[%swap3A_382] : memref<1xi32, #tpu.memory_space<smem>>
          %ge3A_384 = vector.broadcast %get3A_104 : f32 to vector<16xf32>
          %ge3A_385 = arith.cmpf oge, %get3A_136, %ge3A_384 : vector<16xf32>
          %convert_element_type3A_386 = arith.extui %ge3A_385 : vector<16xi1> to vector<16xi32>
          %cumsum3A_387 = arith.constant true
          %cumsum3A_388 = vector.broadcast %cumsum3A_387 : i1 to vector<16xi1>
          %cumsum3A_389 = tpu.scan <sum>, %convert_element_type3A_386 masked %cumsum3A_388 : vector<16xi32>, vector<16xi1> -> vector<16xi32>
          %get3A_390 = arith.constant 0 : i32
          %get3A_391 = arith.index_cast %get3A_390 : i32 to index
          %get3A_392 = memref.load %arg10[%get3A_391] : memref<1xi32, #tpu.memory_space<smem>>
          %add3A_393 = vector.broadcast %get3A_392 : i32 to vector<16xi32>
          %add3A_394 = arith.addi %add3A_393, %cumsum3A_389 : vector<16xi32>
          %sub3A_395 = arith.constant 1 : i32
          %sub3A_396 = vector.broadcast %sub3A_395 : i32 to vector<16xi32>
          %sub3A_397 = arith.subi %add3A_394, %sub3A_396 : vector<16xi32>
          %add3A_398 = arith.addi %add3A_89, %mul3A_101 : i32
          %add3A_399 = arith.constant 112 : i32
          %add3A_400 = arith.addi %add3A_398, %add3A_399 : i32
          %add3A_401 = vector.broadcast %add3A_400 : i32 to vector<16xi32>
          %add3A_402 = arith.addi %iota3A, %add3A_401 : vector<16xi32>
          tpu.vector_store_idx %arg6[%sub3A_397], %get3A_136 masked %ge3A_385 : memref<1024xf32, #tpu.memory_space<vmem>>[vector<16xi32>], vector<16xf32>, vector<16xi1>
          tpu.vector_store_idx %arg7[%sub3A_397], %add3A_402 masked %ge3A_385 : memref<1024xi32, #tpu.memory_space<vmem>>[vector<16xi32>], vector<16xi32>, vector<16xi1>
          %get3A_403 = arith.constant 0 : i32
          %get3A_404 = arith.index_cast %get3A_403 : i32 to index
          %get3A_405 = memref.load %arg10[%get3A_404] : memref<1xi32, #tpu.memory_space<smem>>
          %reduce_max3A_406 = arith.constant true
          %reduce_max3A_407 = vector.broadcast %reduce_max3A_406 : i1 to vector<16xi1>
          %reduce_max3A_408 = arith.constant -2147483648 : i32
          %reduce_max3A_409 = vector.broadcast %reduce_max3A_408 : i32 to vector<16xi32>
          %reduce_max3A_410 = arith.xori %cumsum3A_389, %reduce_max3A_409 : vector<16xi32>
          %reduce_max3A_411 = tpu.scan <max>, %reduce_max3A_410 masked %reduce_max3A_407 : vector<16xi32>, vector<16xi1> -> vector<16xi32>
          %reduce_max3A_412 = arith.xori %reduce_max3A_411, %reduce_max3A_409 : vector<16xi32>
          %reduce_max3A_413 = vector.extract %reduce_max3A_412[15] : i32 from vector<16xi32>
          %add3A_414 = arith.addi %get3A_405, %reduce_max3A_413 : i32
          %swap3A_415 = arith.constant 0 : i32
          %swap3A_416 = arith.index_cast %swap3A_415 : i32 to index
          %swap3A_417 = memref.load %arg10[%swap3A_416] : memref<1xi32, #tpu.memory_space<smem>>
          memref.store %add3A_414, %arg10[%swap3A_416] : memref<1xi32, #tpu.memory_space<smem>>
          %get3A_418 = arith.constant 0 : i32
          %get3A_419 = arith.index_cast %get3A_418 : i32 to index
          %get3A_420 = memref.load %arg10[%get3A_419] : memref<1xi32, #tpu.memory_space<smem>>
          %gt3A = arith.constant 896 : i32
          %gt3A_421 = arith.cmpi sgt, %get3A_420, %gt3A : i32
          %convert_element_type3A_422 = arith.extui %gt3A_421 : i1 to i32
          %cond3A_423 = arith.constant 0 : i32
          %cond3A_424 = arith.cmpi ne, %convert_element_type3A_422, %cond3A_423 : i32
          scf.if %cond3A_424 {
            %iota3A_425 = tpu.iota {dimensions = array<i32: 0>} : vector<16xi32>
            %scan3A_426 = arith.constant 0 : i32
            %scan3A_427 = arith.constant 0 : i32
            %scan3A_428 = arith.constant 64 : i32
            %scan3A_429 = arith.addi %scan3A_427, %scan3A_428 : i32
            %scan3A_430 = arith.constant 1 : i32
            %scan3A_431 = scf.for %scan3A_485 = %scan3A_427 to %scan3A_429 step %scan3A_430 iter_args(%scan3A_486 = %scan3A_426) -> (i32)  : i32 {
              %broadcast_in_dim3A = arith.constant 0xFF800000 : f32
              %broadcast_in_dim3A_487 = vector.broadcast %broadcast_in_dim3A : f32 to vector<16xf32>
              %broadcast_in_dim3A_488 = arith.constant 2147483647 : i32
              %broadcast_in_dim3A_489 = vector.broadcast %broadcast_in_dim3A_488 : i32 to vector<16xi32>
              %scan3A_490 = arith.constant 0 : i32
              %scan3A_491 = arith.constant 64 : i32
              %scan3A_492 = arith.addi %scan3A_490, %scan3A_491 : i32
              %scan3A_493 = arith.constant 1 : i32
              %scan3A_494:3 = scf.for %scan3A_551 = %scan3A_490 to %scan3A_492 step %scan3A_493 iter_args(%scan3A_552 = %broadcast_in_dim3A_487, %scan3A_553 = %broadcast_in_dim3A_489, %scan3A_554 = %iota3A_425) -> (vector<16xf32>, vector<16xi32>, vector<16xi32>)  : i32 {
                %mul3A_555 = arith.constant 16 : i32
                %mul3A_556 = arith.muli %scan3A_551, %mul3A_555 : i32
                %get3A_557 = arith.index_cast %mul3A_556 : i32 to index
                %get3A_558 = tpu.vector_load %arg6[%get3A_557] {strides = array<i32>} : memref<1024xf32, #tpu.memory_space<vmem>>, vector<16xf32>,
                %mul3A_559 = arith.constant 16 : i32
                %mul3A_560 = arith.muli %scan3A_551, %mul3A_559 : i32
                %get3A_561 = arith.index_cast %mul3A_560 : i32 to index
                %get3A_562 = tpu.vector_load %arg7[%get3A_561] {strides = array<i32>} : memref<1024xi32, #tpu.memory_space<vmem>>, vector<16xi32>,
                %mul3A_563 = arith.constant 16 : i32
                %mul3A_564 = arith.muli %scan3A_551, %mul3A_563 : i32
                %add3A_565 = vector.broadcast %mul3A_564 : i32 to vector<16xi32>
                %add3A_566 = arith.addi %iota3A_425, %add3A_565 : vector<16xi32>
                %gt3A_567 = arith.cmpf ogt, %get3A_558, %scan3A_552 : vector<16xf32>
                %eq3A_568 = arith.cmpf oeq, %get3A_558, %scan3A_552 : vector<16xf32>
                %lt3A = arith.cmpi slt, %get3A_562, %scan3A_553 : vector<16xi32>
                %and3A_569 = arith.andi %eq3A_568, %lt3A : vector<16xi1>
                %or3A = arith.ori %gt3A_567, %and3A_569 : vector<16xi1>
                %select_n3A_570 = arith.select %or3A, %get3A_558, %scan3A_552 : vector<16xi1>, vector<16xf32>
                %select_n3A_571 = arith.select %or3A, %get3A_562, %scan3A_553 : vector<16xi1>, vector<16xi32>
                %select_n3A_572 = arith.select %or3A, %add3A_566, %scan3A_554 : vector<16xi1>, vector<16xi32>
                scf.yield %select_n3A_570, %select_n3A_571, %select_n3A_572 : vector<16xf32>, vector<16xi32>, vector<16xi32>
              }
              %scan3A_495 = arith.constant 64 : i32
              %reduce_max3A_496 = arith.constant true
              %reduce_max3A_497 = vector.broadcast %reduce_max3A_496 : i1 to vector<16xi1>
              %reduce_max3A_498 = tpu.scan <max>, %scan3A_494#0 masked %reduce_max3A_497 : vector<16xf32>, vector<16xi1> -> vector<16xf32>
              %reduce_max3A_499 = vector.extract %reduce_max3A_498[15] : f32 from vector<16xf32>
              %eq3A = vector.broadcast %reduce_max3A_499 : f32 to vector<16xf32>
              %eq3A_500 = arith.cmpf oeq, %scan3A_494#0, %eq3A : vector<16xf32>
              %jit3A = arith.constant 2147483647 : i32
              %broadcast_in_dim3A_501 = vector.broadcast %jit3A : i32 to vector<16xi32>
              %select_n3A = arith.select %eq3A_500, %scan3A_494#1, %broadcast_in_dim3A_501 : vector<16xi1>, vector<16xi32>
              %reduce_min3A_502 = arith.constant true
              %reduce_min3A_503 = vector.broadcast %reduce_min3A_502 : i1 to vector<16xi1>
              %reduce_min3A_504 = arith.constant -2147483648 : i32
              %reduce_min3A_505 = vector.broadcast %reduce_min3A_504 : i32 to vector<16xi32>
              %reduce_min3A_506 = arith.xori %select_n3A, %reduce_min3A_505 : vector<16xi32>
              %reduce_min3A_507 = tpu.scan <min>, %reduce_min3A_506 masked %reduce_min3A_503 : vector<16xi32>, vector<16xi1> -> vector<16xi32>
              %reduce_min3A_508 = arith.xori %reduce_min3A_507, %reduce_min3A_505 : vector<16xi32>
              %reduce_min3A_509 = vector.extract %reduce_min3A_508[15] : i32 from vector<16xi32>
              %eq3A_510 = vector.broadcast %reduce_max3A_499 : f32 to vector<16xf32>
              %eq3A_511 = arith.cmpf oeq, %scan3A_494#0, %eq3A_510 : vector<16xf32>
              %eq3A_512 = vector.broadcast %reduce_min3A_509 : i32 to vector<16xi32>
              %eq3A_513 = arith.cmpi eq, %scan3A_494#1, %eq3A_512 : vector<16xi32>
              %and3A = arith.andi %eq3A_511, %eq3A_513 : vector<16xi1>
              %jit3A_514 = arith.constant 2147483647 : i32
              %broadcast_in_dim3A_515 = vector.broadcast %jit3A_514 : i32 to vector<16xi32>
              %select_n3A_516 = arith.select %and3A, %scan3A_494#2, %broadcast_in_dim3A_515 : vector<16xi1>, vector<16xi32>
              %reduce_min3A_517 = arith.constant true
              %reduce_min3A_518 = vector.broadcast %reduce_min3A_517 : i1 to vector<16xi1>
              %reduce_min3A_519 = arith.constant -2147483648 : i32
              %reduce_min3A_520 = vector.broadcast %reduce_min3A_519 : i32 to vector<16xi32>
              %reduce_min3A_521 = arith.xori %select_n3A_516, %reduce_min3A_520 : vector<16xi32>
              %reduce_min3A_522 = tpu.scan <min>, %reduce_min3A_521 masked %reduce_min3A_518 : vector<16xi32>, vector<16xi1> -> vector<16xi32>
              %reduce_min3A_523 = arith.xori %reduce_min3A_522, %reduce_min3A_520 : vector<16xi32>
              %reduce_min3A_524 = vector.extract %reduce_min3A_523[15] : i32 from vector<16xi32>
              %eq3A_525 = arith.constant 0 : i32
              %eq3A_526 = vector.broadcast %eq3A_525 : i32 to vector<16xi32>
              %eq3A_527 = arith.cmpi eq, %iota3A_425, %eq3A_526 : vector<16xi32>
              %broadcast_in_dim3A_528 = vector.broadcast %scan3A_485 : i32 to vector<16xi32>
              %broadcast_in_dim3A_529 = arith.constant 0.000000e+00 : f32
              %broadcast_in_dim3A_530 = vector.broadcast %broadcast_in_dim3A_529 : f32 to vector<16xf32>
              %add3A_531 = vector.broadcast %reduce_max3A_499 : f32 to vector<16xf32>
              %add3A_532 = arith.addf %broadcast_in_dim3A_530, %add3A_531 : vector<16xf32>
              tpu.vector_store_idx %arg8[%broadcast_in_dim3A_528], %add3A_532 masked %eq3A_527 : memref<64xf32, #tpu.memory_space<vmem>>[vector<16xi32>], vector<16xf32>, vector<16xi1>
              %broadcast_in_dim3A_533 = vector.broadcast %scan3A_485 : i32 to vector<16xi32>
              %broadcast_in_dim3A_534 = arith.constant 0 : i32
              %broadcast_in_dim3A_535 = vector.broadcast %broadcast_in_dim3A_534 : i32 to vector<16xi32>
              %add3A_536 = vector.broadcast %reduce_min3A_509 : i32 to vector<16xi32>
              %add3A_537 = arith.addi %broadcast_in_dim3A_535, %add3A_536 : vector<16xi32>
              tpu.vector_store_idx %arg9[%broadcast_in_dim3A_533], %add3A_537 masked %eq3A_527 : memref<64xi32, #tpu.memory_space<vmem>>[vector<16xi32>], vector<16xi32>, vector<16xi1>
              %broadcast_in_dim3A_538 = arith.constant 0 : i32
              %broadcast_in_dim3A_539 = vector.broadcast %broadcast_in_dim3A_538 : i32 to vector<16xi32>
              %add3A_540 = vector.broadcast %reduce_min3A_524 : i32 to vector<16xi32>
              %add3A_541 = arith.addi %broadcast_in_dim3A_539, %add3A_540 : vector<16xi32>
              %broadcast_in_dim3A_542 = arith.constant 0xFF800000 : f32
              %broadcast_in_dim3A_543 = vector.broadcast %broadcast_in_dim3A_542 : f32 to vector<16xf32>
              tpu.vector_store_idx %arg6[%add3A_541], %broadcast_in_dim3A_543 masked %eq3A_527 : memref<1024xf32, #tpu.memory_space<vmem>>[vector<16xi32>], vector<16xf32>, vector<16xi1>
              %broadcast_in_dim3A_544 = arith.constant 0 : i32
              %broadcast_in_dim3A_545 = vector.broadcast %broadcast_in_dim3A_544 : i32 to vector<16xi32>
              %add3A_546 = vector.broadcast %reduce_min3A_524 : i32 to vector<16xi32>
              %add3A_547 = arith.addi %broadcast_in_dim3A_545, %add3A_546 : vector<16xi32>
              %broadcast_in_dim3A_548 = arith.constant 2147483647 : i32
              %broadcast_in_dim3A_549 = vector.broadcast %broadcast_in_dim3A_548 : i32 to vector<16xi32>
              tpu.vector_store_idx %arg7[%add3A_547], %broadcast_in_dim3A_549 masked %eq3A_527 : memref<1024xi32, #tpu.memory_space<vmem>>[vector<16xi32>], vector<16xi32>, vector<16xi1>
              %scan3A_550 = arith.constant 0 : i32
              scf.yield %scan3A_550 : i32
            }
            %scan3A_432 = arith.constant 64 : i32
            %scan3A_433 = arith.constant 0 : i32
            %scan3A_434 = arith.constant 0 : i32
            %scan3A_435 = arith.constant 64 : i32
            %scan3A_436 = arith.addi %scan3A_434, %scan3A_435 : i32
            %scan3A_437 = arith.constant 1 : i32
            %scan3A_438 = scf.for %scan3A_485 = %scan3A_434 to %scan3A_436 step %scan3A_437 iter_args(%scan3A_486 = %scan3A_433) -> (i32)  : i32 {
              %broadcast_in_dim3A = arith.constant 0xFF800000 : f32
              %broadcast_in_dim3A_487 = vector.broadcast %broadcast_in_dim3A : f32 to vector<16xf32>
              %mul3A_488 = arith.constant 16 : i32
              %mul3A_489 = arith.muli %scan3A_485, %mul3A_488 : i32
              %swap3A_490 = arith.index_cast %mul3A_489 : i32 to index
              %swap3A_491 = tpu.vector_load %arg6[%swap3A_490] {strides = array<i32>} : memref<1024xf32, #tpu.memory_space<vmem>>, vector<16xf32>,
              tpu.vector_store %arg6[%swap3A_490], %broadcast_in_dim3A_487 {strides = array<i32>} : memref<1024xf32, #tpu.memory_space<vmem>>, vector<16xf32>,
              %broadcast_in_dim3A_492 = arith.constant 2147483647 : i32
              %broadcast_in_dim3A_493 = vector.broadcast %broadcast_in_dim3A_492 : i32 to vector<16xi32>
              %mul3A_494 = arith.constant 16 : i32
              %mul3A_495 = arith.muli %scan3A_485, %mul3A_494 : i32
              %swap3A_496 = arith.index_cast %mul3A_495 : i32 to index
              %swap3A_497 = tpu.vector_load %arg7[%swap3A_496] {strides = array<i32>} : memref<1024xi32, #tpu.memory_space<vmem>>, vector<16xi32>,
              tpu.vector_store %arg7[%swap3A_496], %broadcast_in_dim3A_493 {strides = array<i32>} : memref<1024xi32, #tpu.memory_space<vmem>>, vector<16xi32>,
              %scan3A_498 = arith.constant 0 : i32
              scf.yield %scan3A_498 : i32
            }
            %scan3A_439 = arith.constant 64 : i32
            %get3A_440 = arith.constant 0 : index
            %get3A_441 = tpu.vector_load %arg8[%get3A_440] {strides = array<i32>} : memref<64xf32, #tpu.memory_space<vmem>>, vector<16xf32>,
            %swap3A_442 = arith.constant 0 : index
            %swap3A_443 = tpu.vector_load %arg6[%swap3A_442] {strides = array<i32>} : memref<1024xf32, #tpu.memory_space<vmem>>, vector<16xf32>,
            tpu.vector_store %arg6[%swap3A_442], %get3A_441 {strides = array<i32>} : memref<1024xf32, #tpu.memory_space<vmem>>, vector<16xf32>,
            %get3A_444 = arith.constant 0 : index
            %get3A_445 = tpu.vector_load %arg9[%get3A_444] {strides = array<i32>} : memref<64xi32, #tpu.memory_space<vmem>>, vector<16xi32>,
            %swap3A_446 = arith.constant 0 : index
            %swap3A_447 = tpu.vector_load %arg7[%swap3A_446] {strides = array<i32>} : memref<1024xi32, #tpu.memory_space<vmem>>, vector<16xi32>,
            tpu.vector_store %arg7[%swap3A_446], %get3A_445 {strides = array<i32>} : memref<1024xi32, #tpu.memory_space<vmem>>, vector<16xi32>,
            %get3A_448 = arith.constant 16 : index
            %get3A_449 = tpu.vector_load %arg8[%get3A_448] {strides = array<i32>} : memref<64xf32, #tpu.memory_space<vmem>>, vector<16xf32>,
            %swap3A_450 = arith.constant 16 : index
            %swap3A_451 = tpu.vector_load %arg6[%swap3A_450] {strides = array<i32>} : memref<1024xf32, #tpu.memory_space<vmem>>, vector<16xf32>,
            tpu.vector_store %arg6[%swap3A_450], %get3A_449 {strides = array<i32>} : memref<1024xf32, #tpu.memory_space<vmem>>, vector<16xf32>,
            %get3A_452 = arith.constant 16 : index
            %get3A_453 = tpu.vector_load %arg9[%get3A_452] {strides = array<i32>} : memref<64xi32, #tpu.memory_space<vmem>>, vector<16xi32>,
            %swap3A_454 = arith.constant 16 : index
            %swap3A_455 = tpu.vector_load %arg7[%swap3A_454] {strides = array<i32>} : memref<1024xi32, #tpu.memory_space<vmem>>, vector<16xi32>,
            tpu.vector_store %arg7[%swap3A_454], %get3A_453 {strides = array<i32>} : memref<1024xi32, #tpu.memory_space<vmem>>, vector<16xi32>,
            %get3A_456 = arith.constant 32 : index
            %get3A_457 = tpu.vector_load %arg8[%get3A_456] {strides = array<i32>} : memref<64xf32, #tpu.memory_space<vmem>>, vector<16xf32>,
            %swap3A_458 = arith.constant 32 : index
            %swap3A_459 = tpu.vector_load %arg6[%swap3A_458] {strides = array<i32>} : memref<1024xf32, #tpu.memory_space<vmem>>, vector<16xf32>,
            tpu.vector_store %arg6[%swap3A_458], %get3A_457 {strides = array<i32>} : memref<1024xf32, #tpu.memory_space<vmem>>, vector<16xf32>,
            %get3A_460 = arith.constant 32 : index
            %get3A_461 = tpu.vector_load %arg9[%get3A_460] {strides = array<i32>} : memref<64xi32, #tpu.memory_space<vmem>>, vector<16xi32>,
            %swap3A_462 = arith.constant 32 : index
            %swap3A_463 = tpu.vector_load %arg7[%swap3A_462] {strides = array<i32>} : memref<1024xi32, #tpu.memory_space<vmem>>, vector<16xi32>,
            tpu.vector_store %arg7[%swap3A_462], %get3A_461 {strides = array<i32>} : memref<1024xi32, #tpu.memory_space<vmem>>, vector<16xi32>,
            %get3A_464 = arith.constant 48 : index
            %get3A_465 = tpu.vector_load %arg8[%get3A_464] {strides = array<i32>} : memref<64xf32, #tpu.memory_space<vmem>>, vector<16xf32>,
            %swap3A_466 = arith.constant 48 : index
            %swap3A_467 = tpu.vector_load %arg6[%swap3A_466] {strides = array<i32>} : memref<1024xf32, #tpu.memory_space<vmem>>, vector<16xf32>,
            tpu.vector_store %arg6[%swap3A_466], %get3A_465 {strides = array<i32>} : memref<1024xf32, #tpu.memory_space<vmem>>, vector<16xf32>,
            %get3A_468 = arith.constant 48 : index
            %get3A_469 = tpu.vector_load %arg9[%get3A_468] {strides = array<i32>} : memref<64xi32, #tpu.memory_space<vmem>>, vector<16xi32>,
            %swap3A_470 = arith.constant 48 : index
            %swap3A_471 = tpu.vector_load %arg7[%swap3A_470] {strides = array<i32>} : memref<1024xi32, #tpu.memory_space<vmem>>, vector<16xi32>,
            tpu.vector_store %arg7[%swap3A_470], %get3A_469 {strides = array<i32>} : memref<1024xi32, #tpu.memory_space<vmem>>, vector<16xi32>,
            %swap3A_472 = arith.constant 64 : i32
            %swap3A_473 = arith.constant 0 : i32
            %swap3A_474 = arith.index_cast %swap3A_473 : i32 to index
            %swap3A_475 = memref.load %arg10[%swap3A_474] : memref<1xi32, #tpu.memory_space<smem>>
            memref.store %swap3A_472, %arg10[%swap3A_474] : memref<1xi32, #tpu.memory_space<smem>>
            %get3A_476 = arith.constant 48 : index
            %get3A_477 = tpu.vector_load %arg8[%get3A_476] {strides = array<i32>} : memref<64xf32, #tpu.memory_space<vmem>>, vector<16xf32>,
            %reduce_min3A_478 = arith.constant true
            %reduce_min3A_479 = vector.broadcast %reduce_min3A_478 : i1 to vector<16xi1>
            %reduce_min3A_480 = tpu.scan <min>, %get3A_477 masked %reduce_min3A_479 : vector<16xf32>, vector<16xi1> -> vector<16xf32>
            %reduce_min3A_481 = vector.extract %reduce_min3A_480[15] : f32 from vector<16xf32>
            %swap3A_482 = arith.constant 0 : i32
            %swap3A_483 = arith.index_cast %swap3A_482 : i32 to index
            %swap3A_484 = memref.load %arg11[%swap3A_483] : memref<1xf32, #tpu.memory_space<smem>>
            memref.store %reduce_min3A_481, %arg11[%swap3A_483] : memref<1xf32, #tpu.memory_space<smem>>
          } else {
          }
        } else {
        }
        %scan3A_147 = arith.constant 0 : i32
        scf.yield %scan3A_147 : i32
      }
      %scan3A_96 = arith.constant 256 : i32
      %scan3A_97 = arith.constant 0 : i32
      scf.yield %scan3A_97 : i32
    }
    %scan3A_22 = arith.constant 8 : i32
    %iota3A_23 = tpu.iota {dimensions = array<i32: 0>} : vector<16xi32>
    %scan3A_24 = arith.constant 0 : i32
    %scan3A_25 = arith.constant 0 : i32
    %scan3A_26 = arith.constant 64 : i32
    %scan3A_27 = arith.addi %scan3A_25, %scan3A_26 : i32
    %scan3A_28 = arith.constant 1 : i32
    %scan3A_29 = scf.for %scan3A_85 = %scan3A_25 to %scan3A_27 step %scan3A_28 iter_args(%scan3A_86 = %scan3A_24) -> (i32)  : i32 {
      %broadcast_in_dim3A = arith.constant 0xFF800000 : f32
      %broadcast_in_dim3A_87 = vector.broadcast %broadcast_in_dim3A : f32 to vector<16xf32>
      %broadcast_in_dim3A_88 = arith.constant 2147483647 : i32
      %broadcast_in_dim3A_89 = vector.broadcast %broadcast_in_dim3A_88 : i32 to vector<16xi32>
      %scan3A_90 = arith.constant 0 : i32
      %scan3A_91 = arith.constant 64 : i32
      %scan3A_92 = arith.addi %scan3A_90, %scan3A_91 : i32
      %scan3A_93 = arith.constant 1 : i32
      %scan3A_94:3 = scf.for %scan3A_150 = %scan3A_90 to %scan3A_92 step %scan3A_93 iter_args(%scan3A_151 = %broadcast_in_dim3A_87, %scan3A_152 = %broadcast_in_dim3A_89, %scan3A_153 = %iota3A_23) -> (vector<16xf32>, vector<16xi32>, vector<16xi32>)  : i32 {
        %mul3A_154 = arith.constant 16 : i32
        %mul3A_155 = arith.muli %scan3A_150, %mul3A_154 : i32
        %get3A_156 = arith.index_cast %mul3A_155 : i32 to index
        %get3A_157 = tpu.vector_load %arg6[%get3A_156] {strides = array<i32>} : memref<1024xf32, #tpu.memory_space<vmem>>, vector<16xf32>,
        %mul3A_158 = arith.constant 16 : i32
        %mul3A_159 = arith.muli %scan3A_150, %mul3A_158 : i32
        %get3A_160 = arith.index_cast %mul3A_159 : i32 to index
        %get3A_161 = tpu.vector_load %arg7[%get3A_160] {strides = array<i32>} : memref<1024xi32, #tpu.memory_space<vmem>>, vector<16xi32>,
        %mul3A_162 = arith.constant 16 : i32
        %mul3A_163 = arith.muli %scan3A_150, %mul3A_162 : i32
        %add3A_164 = vector.broadcast %mul3A_163 : i32 to vector<16xi32>
        %add3A_165 = arith.addi %iota3A_23, %add3A_164 : vector<16xi32>
        %gt3A = arith.cmpf ogt, %get3A_157, %scan3A_151 : vector<16xf32>
        %eq3A_166 = arith.cmpf oeq, %get3A_157, %scan3A_151 : vector<16xf32>
        %lt3A = arith.cmpi slt, %get3A_161, %scan3A_152 : vector<16xi32>
        %and3A_167 = arith.andi %eq3A_166, %lt3A : vector<16xi1>
        %or3A = arith.ori %gt3A, %and3A_167 : vector<16xi1>
        %select_n3A_168 = arith.select %or3A, %get3A_157, %scan3A_151 : vector<16xi1>, vector<16xf32>
        %select_n3A_169 = arith.select %or3A, %get3A_161, %scan3A_152 : vector<16xi1>, vector<16xi32>
        %select_n3A_170 = arith.select %or3A, %add3A_165, %scan3A_153 : vector<16xi1>, vector<16xi32>
        scf.yield %select_n3A_168, %select_n3A_169, %select_n3A_170 : vector<16xf32>, vector<16xi32>, vector<16xi32>
      }
      %scan3A_95 = arith.constant 64 : i32
      %reduce_max3A = arith.constant true
      %reduce_max3A_96 = vector.broadcast %reduce_max3A : i1 to vector<16xi1>
      %reduce_max3A_97 = tpu.scan <max>, %scan3A_94#0 masked %reduce_max3A_96 : vector<16xf32>, vector<16xi1> -> vector<16xf32>
      %reduce_max3A_98 = vector.extract %reduce_max3A_97[15] : f32 from vector<16xf32>
      %eq3A = vector.broadcast %reduce_max3A_98 : f32 to vector<16xf32>
      %eq3A_99 = arith.cmpf oeq, %scan3A_94#0, %eq3A : vector<16xf32>
      %jit3A = arith.constant 2147483647 : i32
      %broadcast_in_dim3A_100 = vector.broadcast %jit3A : i32 to vector<16xi32>
      %select_n3A = arith.select %eq3A_99, %scan3A_94#1, %broadcast_in_dim3A_100 : vector<16xi1>, vector<16xi32>
      %reduce_min3A_101 = arith.constant true
      %reduce_min3A_102 = vector.broadcast %reduce_min3A_101 : i1 to vector<16xi1>
      %reduce_min3A_103 = arith.constant -2147483648 : i32
      %reduce_min3A_104 = vector.broadcast %reduce_min3A_103 : i32 to vector<16xi32>
      %reduce_min3A_105 = arith.xori %select_n3A, %reduce_min3A_104 : vector<16xi32>
      %reduce_min3A_106 = tpu.scan <min>, %reduce_min3A_105 masked %reduce_min3A_102 : vector<16xi32>, vector<16xi1> -> vector<16xi32>
      %reduce_min3A_107 = arith.xori %reduce_min3A_106, %reduce_min3A_104 : vector<16xi32>
      %reduce_min3A_108 = vector.extract %reduce_min3A_107[15] : i32 from vector<16xi32>
      %eq3A_109 = vector.broadcast %reduce_max3A_98 : f32 to vector<16xf32>
      %eq3A_110 = arith.cmpf oeq, %scan3A_94#0, %eq3A_109 : vector<16xf32>
      %eq3A_111 = vector.broadcast %reduce_min3A_108 : i32 to vector<16xi32>
      %eq3A_112 = arith.cmpi eq, %scan3A_94#1, %eq3A_111 : vector<16xi32>
      %and3A = arith.andi %eq3A_110, %eq3A_112 : vector<16xi1>
      %jit3A_113 = arith.constant 2147483647 : i32
      %broadcast_in_dim3A_114 = vector.broadcast %jit3A_113 : i32 to vector<16xi32>
      %select_n3A_115 = arith.select %and3A, %scan3A_94#2, %broadcast_in_dim3A_114 : vector<16xi1>, vector<16xi32>
      %reduce_min3A_116 = arith.constant true
      %reduce_min3A_117 = vector.broadcast %reduce_min3A_116 : i1 to vector<16xi1>
      %reduce_min3A_118 = arith.constant -2147483648 : i32
      %reduce_min3A_119 = vector.broadcast %reduce_min3A_118 : i32 to vector<16xi32>
      %reduce_min3A_120 = arith.xori %select_n3A_115, %reduce_min3A_119 : vector<16xi32>
      %reduce_min3A_121 = tpu.scan <min>, %reduce_min3A_120 masked %reduce_min3A_117 : vector<16xi32>, vector<16xi1> -> vector<16xi32>
      %reduce_min3A_122 = arith.xori %reduce_min3A_121, %reduce_min3A_119 : vector<16xi32>
      %reduce_min3A_123 = vector.extract %reduce_min3A_122[15] : i32 from vector<16xi32>
      %eq3A_124 = arith.constant 0 : i32
      %eq3A_125 = vector.broadcast %eq3A_124 : i32 to vector<16xi32>
      %eq3A_126 = arith.cmpi eq, %iota3A_23, %eq3A_125 : vector<16xi32>
      %broadcast_in_dim3A_127 = vector.broadcast %scan3A_85 : i32 to vector<16xi32>
      %broadcast_in_dim3A_128 = arith.constant 0.000000e+00 : f32
      %broadcast_in_dim3A_129 = vector.broadcast %broadcast_in_dim3A_128 : f32 to vector<16xf32>
      %add3A_130 = vector.broadcast %reduce_max3A_98 : f32 to vector<16xf32>
      %add3A_131 = arith.addf %broadcast_in_dim3A_129, %add3A_130 : vector<16xf32>
      tpu.vector_store_idx %arg8[%broadcast_in_dim3A_127], %add3A_131 masked %eq3A_126 : memref<64xf32, #tpu.memory_space<vmem>>[vector<16xi32>], vector<16xf32>, vector<16xi1>
      %broadcast_in_dim3A_132 = vector.broadcast %scan3A_85 : i32 to vector<16xi32>
      %broadcast_in_dim3A_133 = arith.constant 0 : i32
      %broadcast_in_dim3A_134 = vector.broadcast %broadcast_in_dim3A_133 : i32 to vector<16xi32>
      %add3A_135 = vector.broadcast %reduce_min3A_108 : i32 to vector<16xi32>
      %add3A_136 = arith.addi %broadcast_in_dim3A_134, %add3A_135 : vector<16xi32>
      tpu.vector_store_idx %arg9[%broadcast_in_dim3A_132], %add3A_136 masked %eq3A_126 : memref<64xi32, #tpu.memory_space<vmem>>[vector<16xi32>], vector<16xi32>, vector<16xi1>
      %broadcast_in_dim3A_137 = arith.constant 0 : i32
      %broadcast_in_dim3A_138 = vector.broadcast %broadcast_in_dim3A_137 : i32 to vector<16xi32>
      %add3A_139 = vector.broadcast %reduce_min3A_123 : i32 to vector<16xi32>
      %add3A_140 = arith.addi %broadcast_in_dim3A_138, %add3A_139 : vector<16xi32>
      %broadcast_in_dim3A_141 = arith.constant 0xFF800000 : f32
      %broadcast_in_dim3A_142 = vector.broadcast %broadcast_in_dim3A_141 : f32 to vector<16xf32>
      tpu.vector_store_idx %arg6[%add3A_140], %broadcast_in_dim3A_142 masked %eq3A_126 : memref<1024xf32, #tpu.memory_space<vmem>>[vector<16xi32>], vector<16xf32>, vector<16xi1>
      %broadcast_in_dim3A_143 = arith.constant 0 : i32
      %broadcast_in_dim3A_144 = vector.broadcast %broadcast_in_dim3A_143 : i32 to vector<16xi32>
      %add3A_145 = vector.broadcast %reduce_min3A_123 : i32 to vector<16xi32>
      %add3A_146 = arith.addi %broadcast_in_dim3A_144, %add3A_145 : vector<16xi32>
      %broadcast_in_dim3A_147 = arith.constant 2147483647 : i32
      %broadcast_in_dim3A_148 = vector.broadcast %broadcast_in_dim3A_147 : i32 to vector<16xi32>
      tpu.vector_store_idx %arg7[%add3A_146], %broadcast_in_dim3A_148 masked %eq3A_126 : memref<1024xi32, #tpu.memory_space<vmem>>[vector<16xi32>], vector<16xi32>, vector<16xi1>
      %scan3A_149 = arith.constant 0 : i32
      scf.yield %scan3A_149 : i32
    }
    %scan3A_30 = arith.constant 64 : i32
    %scan3A_31 = arith.constant 0 : i32
    %scan3A_32 = arith.constant 0 : i32
    %scan3A_33 = arith.constant 64 : i32
    %scan3A_34 = arith.addi %scan3A_32, %scan3A_33 : i32
    %scan3A_35 = arith.constant 1 : i32
    %scan3A_36 = scf.for %scan3A_85 = %scan3A_32 to %scan3A_34 step %scan3A_35 iter_args(%scan3A_86 = %scan3A_31) -> (i32)  : i32 {
      %broadcast_in_dim3A = arith.constant 0xFF800000 : f32
      %broadcast_in_dim3A_87 = vector.broadcast %broadcast_in_dim3A : f32 to vector<16xf32>
      %mul3A_88 = arith.constant 16 : i32
      %mul3A_89 = arith.muli %scan3A_85, %mul3A_88 : i32
      %swap3A_90 = arith.index_cast %mul3A_89 : i32 to index
      %swap3A_91 = tpu.vector_load %arg6[%swap3A_90] {strides = array<i32>} : memref<1024xf32, #tpu.memory_space<vmem>>, vector<16xf32>,
      tpu.vector_store %arg6[%swap3A_90], %broadcast_in_dim3A_87 {strides = array<i32>} : memref<1024xf32, #tpu.memory_space<vmem>>, vector<16xf32>,
      %broadcast_in_dim3A_92 = arith.constant 2147483647 : i32
      %broadcast_in_dim3A_93 = vector.broadcast %broadcast_in_dim3A_92 : i32 to vector<16xi32>
      %mul3A_94 = arith.constant 16 : i32
      %mul3A_95 = arith.muli %scan3A_85, %mul3A_94 : i32
      %swap3A_96 = arith.index_cast %mul3A_95 : i32 to index
      %swap3A_97 = tpu.vector_load %arg7[%swap3A_96] {strides = array<i32>} : memref<1024xi32, #tpu.memory_space<vmem>>, vector<16xi32>,
      tpu.vector_store %arg7[%swap3A_96], %broadcast_in_dim3A_93 {strides = array<i32>} : memref<1024xi32, #tpu.memory_space<vmem>>, vector<16xi32>,
      %scan3A_98 = arith.constant 0 : i32
      scf.yield %scan3A_98 : i32
    }
    %scan3A_37 = arith.constant 64 : i32
    %get3A = arith.constant 0 : index
    %get3A_38 = tpu.vector_load %arg8[%get3A] {strides = array<i32>} : memref<64xf32, #tpu.memory_space<vmem>>, vector<16xf32>,
    %swap3A_39 = arith.constant 0 : index
    %swap3A_40 = tpu.vector_load %arg6[%swap3A_39] {strides = array<i32>} : memref<1024xf32, #tpu.memory_space<vmem>>, vector<16xf32>,
    tpu.vector_store %arg6[%swap3A_39], %get3A_38 {strides = array<i32>} : memref<1024xf32, #tpu.memory_space<vmem>>, vector<16xf32>,
    %get3A_41 = arith.constant 0 : index
    %get3A_42 = tpu.vector_load %arg9[%get3A_41] {strides = array<i32>} : memref<64xi32, #tpu.memory_space<vmem>>, vector<16xi32>,
    %swap3A_43 = arith.constant 0 : index
    %swap3A_44 = tpu.vector_load %arg7[%swap3A_43] {strides = array<i32>} : memref<1024xi32, #tpu.memory_space<vmem>>, vector<16xi32>,
    tpu.vector_store %arg7[%swap3A_43], %get3A_42 {strides = array<i32>} : memref<1024xi32, #tpu.memory_space<vmem>>, vector<16xi32>,
    %get3A_45 = arith.constant 16 : index
    %get3A_46 = tpu.vector_load %arg8[%get3A_45] {strides = array<i32>} : memref<64xf32, #tpu.memory_space<vmem>>, vector<16xf32>,
    %swap3A_47 = arith.constant 16 : index
    %swap3A_48 = tpu.vector_load %arg6[%swap3A_47] {strides = array<i32>} : memref<1024xf32, #tpu.memory_space<vmem>>, vector<16xf32>,
    tpu.vector_store %arg6[%swap3A_47], %get3A_46 {strides = array<i32>} : memref<1024xf32, #tpu.memory_space<vmem>>, vector<16xf32>,
    %get3A_49 = arith.constant 16 : index
    %get3A_50 = tpu.vector_load %arg9[%get3A_49] {strides = array<i32>} : memref<64xi32, #tpu.memory_space<vmem>>, vector<16xi32>,
    %swap3A_51 = arith.constant 16 : index
    %swap3A_52 = tpu.vector_load %arg7[%swap3A_51] {strides = array<i32>} : memref<1024xi32, #tpu.memory_space<vmem>>, vector<16xi32>,
    tpu.vector_store %arg7[%swap3A_51], %get3A_50 {strides = array<i32>} : memref<1024xi32, #tpu.memory_space<vmem>>, vector<16xi32>,
    %get3A_53 = arith.constant 32 : index
    %get3A_54 = tpu.vector_load %arg8[%get3A_53] {strides = array<i32>} : memref<64xf32, #tpu.memory_space<vmem>>, vector<16xf32>,
    %swap3A_55 = arith.constant 32 : index
    %swap3A_56 = tpu.vector_load %arg6[%swap3A_55] {strides = array<i32>} : memref<1024xf32, #tpu.memory_space<vmem>>, vector<16xf32>,
    tpu.vector_store %arg6[%swap3A_55], %get3A_54 {strides = array<i32>} : memref<1024xf32, #tpu.memory_space<vmem>>, vector<16xf32>,
    %get3A_57 = arith.constant 32 : index
    %get3A_58 = tpu.vector_load %arg9[%get3A_57] {strides = array<i32>} : memref<64xi32, #tpu.memory_space<vmem>>, vector<16xi32>,
    %swap3A_59 = arith.constant 32 : index
    %swap3A_60 = tpu.vector_load %arg7[%swap3A_59] {strides = array<i32>} : memref<1024xi32, #tpu.memory_space<vmem>>, vector<16xi32>,
    tpu.vector_store %arg7[%swap3A_59], %get3A_58 {strides = array<i32>} : memref<1024xi32, #tpu.memory_space<vmem>>, vector<16xi32>,
    %get3A_61 = arith.constant 48 : index
    %get3A_62 = tpu.vector_load %arg8[%get3A_61] {strides = array<i32>} : memref<64xf32, #tpu.memory_space<vmem>>, vector<16xf32>,
    %swap3A_63 = arith.constant 48 : index
    %swap3A_64 = tpu.vector_load %arg6[%swap3A_63] {strides = array<i32>} : memref<1024xf32, #tpu.memory_space<vmem>>, vector<16xf32>,
    tpu.vector_store %arg6[%swap3A_63], %get3A_62 {strides = array<i32>} : memref<1024xf32, #tpu.memory_space<vmem>>, vector<16xf32>,
    %get3A_65 = arith.constant 48 : index
    %get3A_66 = tpu.vector_load %arg9[%get3A_65] {strides = array<i32>} : memref<64xi32, #tpu.memory_space<vmem>>, vector<16xi32>,
    %swap3A_67 = arith.constant 48 : index
    %swap3A_68 = tpu.vector_load %arg7[%swap3A_67] {strides = array<i32>} : memref<1024xi32, #tpu.memory_space<vmem>>, vector<16xi32>,
    tpu.vector_store %arg7[%swap3A_67], %get3A_66 {strides = array<i32>} : memref<1024xi32, #tpu.memory_space<vmem>>, vector<16xi32>,
    %swap3A_69 = arith.constant 64 : i32
    %swap3A_70 = arith.constant 0 : i32
    %swap3A_71 = arith.index_cast %swap3A_70 : i32 to index
    %swap3A_72 = memref.load %arg10[%swap3A_71] : memref<1xi32, #tpu.memory_space<smem>>
    memref.store %swap3A_69, %arg10[%swap3A_71] : memref<1xi32, #tpu.memory_space<smem>>
    %get3A_73 = arith.constant 48 : index
    %get3A_74 = tpu.vector_load %arg8[%get3A_73] {strides = array<i32>} : memref<64xf32, #tpu.memory_space<vmem>>, vector<16xf32>,
    %reduce_min3A = arith.constant true
    %reduce_min3A_75 = vector.broadcast %reduce_min3A : i1 to vector<16xi1>
    %reduce_min3A_76 = tpu.scan <min>, %get3A_74 masked %reduce_min3A_75 : vector<16xf32>, vector<16xi1> -> vector<16xf32>
    %reduce_min3A_77 = vector.extract %reduce_min3A_76[15] : f32 from vector<16xf32>
    %swap3A_78 = arith.constant 0 : i32
    %swap3A_79 = arith.index_cast %swap3A_78 : i32 to index
    %swap3A_80 = memref.load %arg11[%swap3A_79] : memref<1xf32, #tpu.memory_space<smem>>
    memref.store %reduce_min3A_77, %arg11[%swap3A_79] : memref<1xf32, #tpu.memory_space<smem>>
    %mul3A_81 = arith.constant 64 : i32
    %mul3A_82 = arith.muli %add3A, %mul3A_81 : i32
    "tpu.region"() ({
      %run_scoped3A = tpu.sem_alloc : memref<!tpu.dma_semaphore, #tpu.memory_space<semaphore_mem>>
      %dma_start3A = tpu.memref_slice %arg3[%mul3A_82] : memref<2048xf32, #tpu.memory_space<hbm>> -> memref<64xf32, #tpu.memory_space<hbm>>
      %dma_start3A_85 = tpu.memref_slice %arg3[%mul3A_82] : memref<2048xf32, #tpu.memory_space<hbm>> -> memref<64xf32, #tpu.memory_space<hbm>>
      tpu.enqueue_dma source(%arg8 : memref<64xf32, #tpu.memory_space<vmem>>) target(%dma_start3A_85 : memref<64xf32, #tpu.memory_space<hbm>>) target_semaphore(%run_scoped3A : memref<!tpu.dma_semaphore, #tpu.memory_space<semaphore_mem>>)
      %dma_wait3A = tpu.memref_slice %arg3[%mul3A_82] : memref<2048xf32, #tpu.memory_space<hbm>> -> memref<64xf32, #tpu.memory_space<hbm>>
      %dma_wait3A_86 = tpu.memref_slice %arg3[%mul3A_82] : memref<2048xf32, #tpu.memory_space<hbm>> -> memref<64xf32, #tpu.memory_space<hbm>>
      tpu.wait_dma2 semaphore(%run_scoped3A : memref<!tpu.dma_semaphore, #tpu.memory_space<semaphore_mem>>) src(%arg8 : memref<64xf32, #tpu.memory_space<vmem>>) dst(%dma_wait3A_86 : memref<64xf32, #tpu.memory_space<hbm>>)
      tpu.yield
    }) : () -> ()
    %mul3A_83 = arith.constant 64 : i32
    %mul3A_84 = arith.muli %add3A, %mul3A_83 : i32
    "tpu.region"() ({
      %run_scoped3A = tpu.sem_alloc : memref<!tpu.dma_semaphore, #tpu.memory_space<semaphore_mem>>
      %dma_start3A = tpu.memref_slice %arg4[%mul3A_84] : memref<2048xi32, #tpu.memory_space<hbm>> -> memref<64xi32, #tpu.memory_space<hbm>>
      %dma_start3A_85 = tpu.memref_slice %arg4[%mul3A_84] : memref<2048xi32, #tpu.memory_space<hbm>> -> memref<64xi32, #tpu.memory_space<hbm>>
      tpu.enqueue_dma source(%arg9 : memref<64xi32, #tpu.memory_space<vmem>>) target(%dma_start3A_85 : memref<64xi32, #tpu.memory_space<hbm>>) target_semaphore(%run_scoped3A : memref<!tpu.dma_semaphore, #tpu.memory_space<semaphore_mem>>)
      %dma_wait3A = tpu.memref_slice %arg4[%mul3A_84] : memref<2048xi32, #tpu.memory_space<hbm>> -> memref<64xi32, #tpu.memory_space<hbm>>
      %dma_wait3A_86 = tpu.memref_slice %arg4[%mul3A_84] : memref<2048xi32, #tpu.memory_space<hbm>> -> memref<64xi32, #tpu.memory_space<hbm>>
      tpu.wait_dma2 semaphore(%run_scoped3A : memref<!tpu.dma_semaphore, #tpu.memory_space<semaphore_mem>>) src(%arg9 : memref<64xi32, #tpu.memory_space<vmem>>) dst(%dma_wait3A_86 : memref<64xi32, #tpu.memory_space<hbm>>)
      tpu.yield
    }) : () -> ()
    return
  }
}

#map = affine_map<(d0, d1) -> (0)>
module attributes {stable_mosaic.version = 14 : i64} {
  func.func @_phase2_body(%arg0: i32, %arg1: i32, %arg2: memref<2048xf32, #tpu.memory_space<hbm>>, %arg3: memref<2048xi32, #tpu.memory_space<hbm>>, %arg4: memref<8388608xf32, #tpu.memory_space<hbm>>, %arg5: memref<2048xf32, #tpu.memory_space<vmem>>, %arg6: memref<2048xi32, #tpu.memory_space<vmem>>, %arg7: memref<64xi32, #tpu.memory_space<vmem>>, %arg8: memref<32768xf32, #tpu.memory_space<vmem>>) attributes {dimension_semantics = [#tpu.dimension_semantics<core_parallel>, #tpu.dimension_semantics<subcore_parallel>], iteration_bounds = array<i64: 2, 16>, scalar_prefetch = 0 : i64, scratch_operands = 4 : i64, tpu.core_type = #tpu.core_type<sc_vector_subcore>, window_params = [{transform_indices = #map}, {transform_indices = #map}, {transform_indices = #map}]} {
    %iota3A = tpu.iota {dimensions = array<i32: 0>} : vector<16xi32>
    %mul3A = arith.constant 2 : i32
    %mul3A_0 = arith.muli %arg1, %mul3A : i32
    %add3A = arith.addi %mul3A_0, %arg0 : i32
    %mul3A_1 = arith.constant 262144 : i32
    %mul3A_2 = arith.muli %add3A, %mul3A_1 : i32
    "tpu.region"() ({
      %run_scoped3A = tpu.sem_alloc : memref<!tpu.dma_semaphore, #tpu.memory_space<semaphore_mem>>
      tpu.enqueue_dma source(%arg2 : memref<2048xf32, #tpu.memory_space<hbm>>) target(%arg5 : memref<2048xf32, #tpu.memory_space<vmem>>) target_semaphore(%run_scoped3A : memref<!tpu.dma_semaphore, #tpu.memory_space<semaphore_mem>>)
      tpu.wait_dma2 semaphore(%run_scoped3A : memref<!tpu.dma_semaphore, #tpu.memory_space<semaphore_mem>>) src(%arg2 : memref<2048xf32, #tpu.memory_space<hbm>>) dst(%arg5 : memref<2048xf32, #tpu.memory_space<vmem>>)
      tpu.yield
    }) : () -> ()
    "tpu.region"() ({
      %run_scoped3A = tpu.sem_alloc : memref<!tpu.dma_semaphore, #tpu.memory_space<semaphore_mem>>
      tpu.enqueue_dma source(%arg3 : memref<2048xi32, #tpu.memory_space<hbm>>) target(%arg6 : memref<2048xi32, #tpu.memory_space<vmem>>) target_semaphore(%run_scoped3A : memref<!tpu.dma_semaphore, #tpu.memory_space<semaphore_mem>>)
      tpu.wait_dma2 semaphore(%run_scoped3A : memref<!tpu.dma_semaphore, #tpu.memory_space<semaphore_mem>>) src(%arg3 : memref<2048xi32, #tpu.memory_space<hbm>>) dst(%arg6 : memref<2048xi32, #tpu.memory_space<vmem>>)
      tpu.yield
    }) : () -> ()
    %scan3A = arith.constant 0 : i32
    %scan3A_3 = arith.constant 0 : i32
    %scan3A_4 = arith.constant 2048 : i32
    %scan3A_5 = arith.addi %scan3A_3, %scan3A_4 : i32
    %scan3A_6 = arith.constant 1 : i32
    %scan3A_7 = scf.for %scan3A_46 = %scan3A_3 to %scan3A_5 step %scan3A_6 iter_args(%scan3A_47 = %scan3A) -> (i32)  : i32 {
      %broadcast_in_dim3A_48 = arith.constant 0.000000e+00 : f32
      %broadcast_in_dim3A_49 = vector.broadcast %broadcast_in_dim3A_48 : f32 to vector<16xf32>
      %mul3A_50 = arith.constant 16 : i32
      %mul3A_51 = arith.muli %scan3A_46, %mul3A_50 : i32
      %swap3A_52 = arith.index_cast %mul3A_51 : i32 to index
      %swap3A_53 = tpu.vector_load %arg8[%swap3A_52] {strides = array<i32>} : memref<32768xf32, #tpu.memory_space<vmem>>, vector<16xf32>,
      tpu.vector_store %arg8[%swap3A_52], %broadcast_in_dim3A_49 {strides = array<i32>} : memref<32768xf32, #tpu.memory_space<vmem>>, vector<16xf32>,
      %scan3A_54 = arith.constant 0 : i32
      scf.yield %scan3A_54 : i32
    }
    %scan3A_8 = arith.constant 2048 : i32
    %broadcast_in_dim3A = arith.constant -1 : i32
    %broadcast_in_dim3A_9 = vector.broadcast %broadcast_in_dim3A : i32 to vector<16xi32>
    %swap3A = arith.constant 0 : index
    %swap3A_10 = tpu.vector_load %arg7[%swap3A] {strides = array<i32>} : memref<64xi32, #tpu.memory_space<vmem>>, vector<16xi32>,
    tpu.vector_store %arg7[%swap3A], %broadcast_in_dim3A_9 {strides = array<i32>} : memref<64xi32, #tpu.memory_space<vmem>>, vector<16xi32>,
    %broadcast_in_dim3A_11 = arith.constant -1 : i32
    %broadcast_in_dim3A_12 = vector.broadcast %broadcast_in_dim3A_11 : i32 to vector<16xi32>
    %swap3A_13 = arith.constant 16 : index
    %swap3A_14 = tpu.vector_load %arg7[%swap3A_13] {strides = array<i32>} : memref<64xi32, #tpu.memory_space<vmem>>, vector<16xi32>,
    tpu.vector_store %arg7[%swap3A_13], %broadcast_in_dim3A_12 {strides = array<i32>} : memref<64xi32, #tpu.memory_space<vmem>>, vector<16xi32>,
    %broadcast_in_dim3A_15 = arith.constant -1 : i32
    %broadcast_in_dim3A_16 = vector.broadcast %broadcast_in_dim3A_15 : i32 to vector<16xi32>
    %swap3A_17 = arith.constant 32 : index
    %swap3A_18 = tpu.vector_load %arg7[%swap3A_17] {strides = array<i32>} : memref<64xi32, #tpu.memory_space<vmem>>, vector<16xi32>,
    tpu.vector_store %arg7[%swap3A_17], %broadcast_in_dim3A_16 {strides = array<i32>} : memref<64xi32, #tpu.memory_space<vmem>>, vector<16xi32>,
    %broadcast_in_dim3A_19 = arith.constant -1 : i32
    %broadcast_in_dim3A_20 = vector.broadcast %broadcast_in_dim3A_19 : i32 to vector<16xi32>
    %swap3A_21 = arith.constant 48 : index
    %swap3A_22 = tpu.vector_load %arg7[%swap3A_21] {strides = array<i32>} : memref<64xi32, #tpu.memory_space<vmem>>, vector<16xi32>,
    tpu.vector_store %arg7[%swap3A_21], %broadcast_in_dim3A_20 {strides = array<i32>} : memref<64xi32, #tpu.memory_space<vmem>>, vector<16xi32>,
    %eq3A = arith.constant 0 : i32
    %eq3A_23 = vector.broadcast %eq3A : i32 to vector<16xi32>
    %eq3A_24 = arith.cmpi eq, %iota3A, %eq3A_23 : vector<16xi32>
    %scan3A_25 = arith.constant 0 : i32
    %scan3A_26 = arith.constant 0 : i32
    %scan3A_27 = arith.constant 50 : i32
    %scan3A_28 = arith.addi %scan3A_26, %scan3A_27 : i32
    %scan3A_29 = arith.constant 1 : i32
    %scan3A_30 = scf.for %scan3A_46 = %scan3A_26 to %scan3A_28 step %scan3A_29 iter_args(%scan3A_47 = %scan3A_25) -> (i32)  : i32 {
      %broadcast_in_dim3A_48 = arith.constant 0xFF800000 : f32
      %broadcast_in_dim3A_49 = vector.broadcast %broadcast_in_dim3A_48 : f32 to vector<16xf32>
      %broadcast_in_dim3A_50 = arith.constant 2147483647 : i32
      %broadcast_in_dim3A_51 = vector.broadcast %broadcast_in_dim3A_50 : i32 to vector<16xi32>
      %scan3A_52 = arith.constant 0 : i32
      %scan3A_53 = arith.constant 128 : i32
      %scan3A_54 = arith.addi %scan3A_52, %scan3A_53 : i32
      %scan3A_55 = arith.constant 1 : i32
      %scan3A_56:3 = scf.for %scan3A_104 = %scan3A_52 to %scan3A_54 step %scan3A_55 iter_args(%scan3A_105 = %broadcast_in_dim3A_49, %scan3A_106 = %broadcast_in_dim3A_51, %scan3A_107 = %iota3A) -> (vector<16xf32>, vector<16xi32>, vector<16xi32>)  : i32 {
        %mul3A_108 = arith.constant 16 : i32
        %mul3A_109 = arith.muli %scan3A_104, %mul3A_108 : i32
        %get3A_110 = arith.index_cast %mul3A_109 : i32 to index
        %get3A_111 = tpu.vector_load %arg5[%get3A_110] {strides = array<i32>} : memref<2048xf32, #tpu.memory_space<vmem>>, vector<16xf32>,
        %mul3A_112 = arith.constant 16 : i32
        %mul3A_113 = arith.muli %scan3A_104, %mul3A_112 : i32
        %get3A_114 = arith.index_cast %mul3A_113 : i32 to index
        %get3A_115 = tpu.vector_load %arg6[%get3A_114] {strides = array<i32>} : memref<2048xi32, #tpu.memory_space<vmem>>, vector<16xi32>,
        %mul3A_116 = arith.constant 16 : i32
        %mul3A_117 = arith.muli %scan3A_104, %mul3A_116 : i32
        %add3A_118 = vector.broadcast %mul3A_117 : i32 to vector<16xi32>
        %add3A_119 = arith.addi %iota3A, %add3A_118 : vector<16xi32>
        %gt3A = arith.cmpf ogt, %get3A_111, %scan3A_105 : vector<16xf32>
        %eq3A_120 = arith.cmpf oeq, %get3A_111, %scan3A_105 : vector<16xf32>
        %lt3A = arith.cmpi slt, %get3A_115, %scan3A_106 : vector<16xi32>
        %and3A_121 = arith.andi %eq3A_120, %lt3A : vector<16xi1>
        %or3A = arith.ori %gt3A, %and3A_121 : vector<16xi1>
        %select_n3A_122 = arith.select %or3A, %get3A_111, %scan3A_105 : vector<16xi1>, vector<16xf32>
        %select_n3A_123 = arith.select %or3A, %get3A_115, %scan3A_106 : vector<16xi1>, vector<16xi32>
        %select_n3A_124 = arith.select %or3A, %add3A_119, %scan3A_107 : vector<16xi1>, vector<16xi32>
        scf.yield %select_n3A_122, %select_n3A_123, %select_n3A_124 : vector<16xf32>, vector<16xi32>, vector<16xi32>
      }
      %scan3A_57 = arith.constant 128 : i32
      %reduce_max3A = arith.constant true
      %reduce_max3A_58 = vector.broadcast %reduce_max3A : i1 to vector<16xi1>
      %reduce_max3A_59 = tpu.scan <max>, %scan3A_56#0 masked %reduce_max3A_58 : vector<16xf32>, vector<16xi1> -> vector<16xf32>
      %reduce_max3A_60 = vector.extract %reduce_max3A_59[15] : f32 from vector<16xf32>
      %eq3A_61 = vector.broadcast %reduce_max3A_60 : f32 to vector<16xf32>
      %eq3A_62 = arith.cmpf oeq, %scan3A_56#0, %eq3A_61 : vector<16xf32>
      %jit3A = arith.constant 2147483647 : i32
      %broadcast_in_dim3A_63 = vector.broadcast %jit3A : i32 to vector<16xi32>
      %select_n3A = arith.select %eq3A_62, %scan3A_56#1, %broadcast_in_dim3A_63 : vector<16xi1>, vector<16xi32>
      %reduce_min3A = arith.constant true
      %reduce_min3A_64 = vector.broadcast %reduce_min3A : i1 to vector<16xi1>
      %reduce_min3A_65 = arith.constant -2147483648 : i32
      %reduce_min3A_66 = vector.broadcast %reduce_min3A_65 : i32 to vector<16xi32>
      %reduce_min3A_67 = arith.xori %select_n3A, %reduce_min3A_66 : vector<16xi32>
      %reduce_min3A_68 = tpu.scan <min>, %reduce_min3A_67 masked %reduce_min3A_64 : vector<16xi32>, vector<16xi1> -> vector<16xi32>
      %reduce_min3A_69 = arith.xori %reduce_min3A_68, %reduce_min3A_66 : vector<16xi32>
      %reduce_min3A_70 = vector.extract %reduce_min3A_69[15] : i32 from vector<16xi32>
      %eq3A_71 = vector.broadcast %reduce_max3A_60 : f32 to vector<16xf32>
      %eq3A_72 = arith.cmpf oeq, %scan3A_56#0, %eq3A_71 : vector<16xf32>
      %eq3A_73 = vector.broadcast %reduce_min3A_70 : i32 to vector<16xi32>
      %eq3A_74 = arith.cmpi eq, %scan3A_56#1, %eq3A_73 : vector<16xi32>
      %and3A = arith.andi %eq3A_72, %eq3A_74 : vector<16xi1>
      %jit3A_75 = arith.constant 2147483647 : i32
      %broadcast_in_dim3A_76 = vector.broadcast %jit3A_75 : i32 to vector<16xi32>
      %select_n3A_77 = arith.select %and3A, %scan3A_56#2, %broadcast_in_dim3A_76 : vector<16xi1>, vector<16xi32>
      %reduce_min3A_78 = arith.constant true
      %reduce_min3A_79 = vector.broadcast %reduce_min3A_78 : i1 to vector<16xi1>
      %reduce_min3A_80 = arith.constant -2147483648 : i32
      %reduce_min3A_81 = vector.broadcast %reduce_min3A_80 : i32 to vector<16xi32>
      %reduce_min3A_82 = arith.xori %select_n3A_77, %reduce_min3A_81 : vector<16xi32>
      %reduce_min3A_83 = tpu.scan <min>, %reduce_min3A_82 masked %reduce_min3A_79 : vector<16xi32>, vector<16xi1> -> vector<16xi32>
      %reduce_min3A_84 = arith.xori %reduce_min3A_83, %reduce_min3A_81 : vector<16xi32>
      %reduce_min3A_85 = vector.extract %reduce_min3A_84[15] : i32 from vector<16xi32>
      %broadcast_in_dim3A_86 = vector.broadcast %scan3A_46 : i32 to vector<16xi32>
      %broadcast_in_dim3A_87 = arith.constant 0 : i32
      %broadcast_in_dim3A_88 = vector.broadcast %broadcast_in_dim3A_87 : i32 to vector<16xi32>
      %add3A_89 = vector.broadcast %reduce_min3A_70 : i32 to vector<16xi32>
      %add3A_90 = arith.addi %broadcast_in_dim3A_88, %add3A_89 : vector<16xi32>
      tpu.vector_store_idx %arg7[%broadcast_in_dim3A_86], %add3A_90 masked %eq3A_24 : memref<64xi32, #tpu.memory_space<vmem>>[vector<16xi32>], vector<16xi32>, vector<16xi1>
      %broadcast_in_dim3A_91 = arith.constant 0 : i32
      %broadcast_in_dim3A_92 = vector.broadcast %broadcast_in_dim3A_91 : i32 to vector<16xi32>
      %add3A_93 = vector.broadcast %reduce_min3A_85 : i32 to vector<16xi32>
      %add3A_94 = arith.addi %broadcast_in_dim3A_92, %add3A_93 : vector<16xi32>
      %broadcast_in_dim3A_95 = arith.constant 0xFF800000 : f32
      %broadcast_in_dim3A_96 = vector.broadcast %broadcast_in_dim3A_95 : f32 to vector<16xf32>
      tpu.vector_store_idx %arg5[%add3A_94], %broadcast_in_dim3A_96 masked %eq3A_24 : memref<2048xf32, #tpu.memory_space<vmem>>[vector<16xi32>], vector<16xf32>, vector<16xi1>
      %broadcast_in_dim3A_97 = arith.constant 0 : i32
      %broadcast_in_dim3A_98 = vector.broadcast %broadcast_in_dim3A_97 : i32 to vector<16xi32>
      %add3A_99 = vector.broadcast %reduce_min3A_85 : i32 to vector<16xi32>
      %add3A_100 = arith.addi %broadcast_in_dim3A_98, %add3A_99 : vector<16xi32>
      %broadcast_in_dim3A_101 = arith.constant 2147483647 : i32
      %broadcast_in_dim3A_102 = vector.broadcast %broadcast_in_dim3A_101 : i32 to vector<16xi32>
      tpu.vector_store_idx %arg6[%add3A_100], %broadcast_in_dim3A_102 masked %eq3A_24 : memref<2048xi32, #tpu.memory_space<vmem>>[vector<16xi32>], vector<16xi32>, vector<16xi1>
      %scan3A_103 = arith.constant 0 : i32
      scf.yield %scan3A_103 : i32
    }
    %scan3A_31 = arith.constant 50 : i32
    %get3A = arith.constant 0 : index
    %get3A_32 = tpu.vector_load %arg7[%get3A] {strides = array<i32>} : memref<64xi32, #tpu.memory_space<vmem>>, vector<16xi32>,
    %get3A_33 = arith.constant 16 : index
    %get3A_34 = tpu.vector_load %arg7[%get3A_33] {strides = array<i32>} : memref<64xi32, #tpu.memory_space<vmem>>, vector<16xi32>,
    %get3A_35 = arith.constant 32 : index
    %get3A_36 = tpu.vector_load %arg7[%get3A_35] {strides = array<i32>} : memref<64xi32, #tpu.memory_space<vmem>>, vector<16xi32>,
    %get3A_37 = arith.constant 48 : index
    %get3A_38 = tpu.vector_load %arg7[%get3A_37] {strides = array<i32>} : memref<64xi32, #tpu.memory_space<vmem>>, vector<16xi32>,
    %scan3A_39 = arith.constant 0 : i32
    %scan3A_40 = arith.constant 0 : i32
    %scan3A_41 = arith.constant 8 : i32
    %scan3A_42 = arith.addi %scan3A_40, %scan3A_41 : i32
    %scan3A_43 = arith.constant 1 : i32
    %scan3A_44 = scf.for %scan3A_46 = %scan3A_40 to %scan3A_42 step %scan3A_43 iter_args(%scan3A_47 = %scan3A_39) -> (i32)  : i32 {
      %mul3A_48 = arith.constant 32768 : i32
      %mul3A_49 = arith.muli %scan3A_46, %mul3A_48 : i32
      %add3A_50 = arith.addi %mul3A_2, %mul3A_49 : i32
      %ge3A = vector.broadcast %add3A_50 : i32 to vector<16xi32>
      %ge3A_51 = arith.cmpi sge, %get3A_32, %ge3A : vector<16xi32>
      %add3A_52 = arith.constant 32768 : i32
      %add3A_53 = arith.addi %add3A_50, %add3A_52 : i32
      %lt3A = vector.broadcast %add3A_53 : i32 to vector<16xi32>
      %lt3A_54 = arith.cmpi slt, %get3A_32, %lt3A : vector<16xi32>
      %and3A = arith.andi %ge3A_51, %lt3A_54 : vector<16xi1>
      %ge3A_55 = vector.broadcast %add3A_50 : i32 to vector<16xi32>
      %ge3A_56 = arith.cmpi sge, %get3A_34, %ge3A_55 : vector<16xi32>
      %add3A_57 = arith.constant 32768 : i32
      %add3A_58 = arith.addi %add3A_50, %add3A_57 : i32
      %lt3A_59 = vector.broadcast %add3A_58 : i32 to vector<16xi32>
      %lt3A_60 = arith.cmpi slt, %get3A_34, %lt3A_59 : vector<16xi32>
      %and3A_61 = arith.andi %ge3A_56, %lt3A_60 : vector<16xi1>
      %ge3A_62 = vector.broadcast %add3A_50 : i32 to vector<16xi32>
      %ge3A_63 = arith.cmpi sge, %get3A_36, %ge3A_62 : vector<16xi32>
      %add3A_64 = arith.constant 32768 : i32
      %add3A_65 = arith.addi %add3A_50, %add3A_64 : i32
      %lt3A_66 = vector.broadcast %add3A_65 : i32 to vector<16xi32>
      %lt3A_67 = arith.cmpi slt, %get3A_36, %lt3A_66 : vector<16xi32>
      %and3A_68 = arith.andi %ge3A_63, %lt3A_67 : vector<16xi1>
      %ge3A_69 = vector.broadcast %add3A_50 : i32 to vector<16xi32>
      %ge3A_70 = arith.cmpi sge, %get3A_38, %ge3A_69 : vector<16xi32>
      %add3A_71 = arith.constant 32768 : i32
      %add3A_72 = arith.addi %add3A_50, %add3A_71 : i32
      %lt3A_73 = vector.broadcast %add3A_72 : i32 to vector<16xi32>
      %lt3A_74 = arith.cmpi slt, %get3A_38, %lt3A_73 : vector<16xi32>
      %and3A_75 = arith.andi %ge3A_70, %lt3A_74 : vector<16xi1>
      %or3A = arith.ori %and3A, %and3A_61 : vector<16xi1>
      %or3A_76 = arith.ori %or3A, %and3A_68 : vector<16xi1>
      %or3A_77 = arith.ori %or3A_76, %and3A_75 : vector<16xi1>
      %convert_element_type3A = arith.extui %or3A_77 : vector<16xi1> to vector<16xi32>
      %reduce_max3A = arith.constant true
      %reduce_max3A_78 = vector.broadcast %reduce_max3A : i1 to vector<16xi1>
      %reduce_max3A_79 = arith.constant -2147483648 : i32
      %reduce_max3A_80 = vector.broadcast %reduce_max3A_79 : i32 to vector<16xi32>
      %reduce_max3A_81 = arith.xori %convert_element_type3A, %reduce_max3A_80 : vector<16xi32>
      %reduce_max3A_82 = tpu.scan <max>, %reduce_max3A_81 masked %reduce_max3A_78 : vector<16xi32>, vector<16xi1> -> vector<16xi32>
      %reduce_max3A_83 = arith.xori %reduce_max3A_82, %reduce_max3A_80 : vector<16xi32>
      %reduce_max3A_84 = vector.extract %reduce_max3A_83[15] : i32 from vector<16xi32>
      %gt3A = arith.constant 0 : i32
      %gt3A_85 = arith.cmpi sgt, %reduce_max3A_84, %gt3A : i32
      %convert_element_type3A_86 = arith.extui %gt3A_85 : i1 to i32
      %cond3A = arith.constant 0 : i32
      %cond3A_87 = arith.cmpi ne, %convert_element_type3A_86, %cond3A : i32
      scf.if %cond3A_87 {
        %sub3A = vector.broadcast %add3A_50 : i32 to vector<16xi32>
        %sub3A_94 = arith.subi %get3A_32, %sub3A : vector<16xi32>
        %jit3A = arith.constant 0 : i32
        %broadcast_in_dim3A_95 = vector.broadcast %jit3A : i32 to vector<16xi32>
        %select_n3A = arith.select %and3A, %sub3A_94, %broadcast_in_dim3A_95 : vector<16xi1>, vector<16xi32>
        %broadcast_in_dim3A_96 = arith.constant 1.000000e+00 : f32
        %broadcast_in_dim3A_97 = vector.broadcast %broadcast_in_dim3A_96 : f32 to vector<16xf32>
        tpu.vector_store_idx %arg8[%select_n3A], %broadcast_in_dim3A_97 masked %and3A : memref<32768xf32, #tpu.memory_space<vmem>>[vector<16xi32>], vector<16xf32>, vector<16xi1>
        %sub3A_98 = vector.broadcast %add3A_50 : i32 to vector<16xi32>
        %sub3A_99 = arith.subi %get3A_34, %sub3A_98 : vector<16xi32>
        %jit3A_100 = arith.constant 0 : i32
        %broadcast_in_dim3A_101 = vector.broadcast %jit3A_100 : i32 to vector<16xi32>
        %select_n3A_102 = arith.select %and3A_61, %sub3A_99, %broadcast_in_dim3A_101 : vector<16xi1>, vector<16xi32>
        %broadcast_in_dim3A_103 = arith.constant 1.000000e+00 : f32
        %broadcast_in_dim3A_104 = vector.broadcast %broadcast_in_dim3A_103 : f32 to vector<16xf32>
        tpu.vector_store_idx %arg8[%select_n3A_102], %broadcast_in_dim3A_104 masked %and3A_61 : memref<32768xf32, #tpu.memory_space<vmem>>[vector<16xi32>], vector<16xf32>, vector<16xi1>
        %sub3A_105 = vector.broadcast %add3A_50 : i32 to vector<16xi32>
        %sub3A_106 = arith.subi %get3A_36, %sub3A_105 : vector<16xi32>
        %jit3A_107 = arith.constant 0 : i32
        %broadcast_in_dim3A_108 = vector.broadcast %jit3A_107 : i32 to vector<16xi32>
        %select_n3A_109 = arith.select %and3A_68, %sub3A_106, %broadcast_in_dim3A_108 : vector<16xi1>, vector<16xi32>
        %broadcast_in_dim3A_110 = arith.constant 1.000000e+00 : f32
        %broadcast_in_dim3A_111 = vector.broadcast %broadcast_in_dim3A_110 : f32 to vector<16xf32>
        tpu.vector_store_idx %arg8[%select_n3A_109], %broadcast_in_dim3A_111 masked %and3A_68 : memref<32768xf32, #tpu.memory_space<vmem>>[vector<16xi32>], vector<16xf32>, vector<16xi1>
        %sub3A_112 = vector.broadcast %add3A_50 : i32 to vector<16xi32>
        %sub3A_113 = arith.subi %get3A_38, %sub3A_112 : vector<16xi32>
        %jit3A_114 = arith.constant 0 : i32
        %broadcast_in_dim3A_115 = vector.broadcast %jit3A_114 : i32 to vector<16xi32>
        %select_n3A_116 = arith.select %and3A_75, %sub3A_113, %broadcast_in_dim3A_115 : vector<16xi1>, vector<16xi32>
        %broadcast_in_dim3A_117 = arith.constant 1.000000e+00 : f32
        %broadcast_in_dim3A_118 = vector.broadcast %broadcast_in_dim3A_117 : f32 to vector<16xf32>
        tpu.vector_store_idx %arg8[%select_n3A_116], %broadcast_in_dim3A_118 masked %and3A_75 : memref<32768xf32, #tpu.memory_space<vmem>>[vector<16xi32>], vector<16xf32>, vector<16xi1>
      } else {
      }
      "tpu.region"() ({
        %run_scoped3A = tpu.sem_alloc : memref<!tpu.dma_semaphore, #tpu.memory_space<semaphore_mem>>
        %dma_start3A = tpu.memref_slice %arg4[%add3A_50] : memref<8388608xf32, #tpu.memory_space<hbm>> -> memref<32768xf32, #tpu.memory_space<hbm>>
        %dma_start3A_94 = tpu.memref_slice %arg4[%add3A_50] : memref<8388608xf32, #tpu.memory_space<hbm>> -> memref<32768xf32, #tpu.memory_space<hbm>>
        tpu.enqueue_dma source(%arg8 : memref<32768xf32, #tpu.memory_space<vmem>>) target(%dma_start3A_94 : memref<32768xf32, #tpu.memory_space<hbm>>) target_semaphore(%run_scoped3A : memref<!tpu.dma_semaphore, #tpu.memory_space<semaphore_mem>>)
        %dma_wait3A = tpu.memref_slice %arg4[%add3A_50] : memref<8388608xf32, #tpu.memory_space<hbm>> -> memref<32768xf32, #tpu.memory_space<hbm>>
        %dma_wait3A_95 = tpu.memref_slice %arg4[%add3A_50] : memref<8388608xf32, #tpu.memory_space<hbm>> -> memref<32768xf32, #tpu.memory_space<hbm>>
        tpu.wait_dma2 semaphore(%run_scoped3A : memref<!tpu.dma_semaphore, #tpu.memory_space<semaphore_mem>>) src(%arg8 : memref<32768xf32, #tpu.memory_space<vmem>>) dst(%dma_wait3A_95 : memref<32768xf32, #tpu.memory_space<hbm>>)
        tpu.yield
      }) : () -> ()
      %gt3A_88 = arith.constant 0 : i32
      %gt3A_89 = arith.cmpi sgt, %reduce_max3A_84, %gt3A_88 : i32
      %convert_element_type3A_90 = arith.extui %gt3A_89 : i1 to i32
      %cond3A_91 = arith.constant 0 : i32
      %cond3A_92 = arith.cmpi ne, %convert_element_type3A_90, %cond3A_91 : i32
      scf.if %cond3A_92 {
        %sub3A = vector.broadcast %add3A_50 : i32 to vector<16xi32>
        %sub3A_94 = arith.subi %get3A_32, %sub3A : vector<16xi32>
        %jit3A = arith.constant 0 : i32
        %broadcast_in_dim3A_95 = vector.broadcast %jit3A : i32 to vector<16xi32>
        %select_n3A = arith.select %and3A, %sub3A_94, %broadcast_in_dim3A_95 : vector<16xi1>, vector<16xi32>
        %broadcast_in_dim3A_96 = arith.constant 0.000000e+00 : f32
        %broadcast_in_dim3A_97 = vector.broadcast %broadcast_in_dim3A_96 : f32 to vector<16xf32>
        tpu.vector_store_idx %arg8[%select_n3A], %broadcast_in_dim3A_97 masked %and3A : memref<32768xf32, #tpu.memory_space<vmem>>[vector<16xi32>], vector<16xf32>, vector<16xi1>
        %sub3A_98 = vector.broadcast %add3A_50 : i32 to vector<16xi32>
        %sub3A_99 = arith.subi %get3A_34, %sub3A_98 : vector<16xi32>
        %jit3A_100 = arith.constant 0 : i32
        %broadcast_in_dim3A_101 = vector.broadcast %jit3A_100 : i32 to vector<16xi32>
        %select_n3A_102 = arith.select %and3A_61, %sub3A_99, %broadcast_in_dim3A_101 : vector<16xi1>, vector<16xi32>
        %broadcast_in_dim3A_103 = arith.constant 0.000000e+00 : f32
        %broadcast_in_dim3A_104 = vector.broadcast %broadcast_in_dim3A_103 : f32 to vector<16xf32>
        tpu.vector_store_idx %arg8[%select_n3A_102], %broadcast_in_dim3A_104 masked %and3A_61 : memref<32768xf32, #tpu.memory_space<vmem>>[vector<16xi32>], vector<16xf32>, vector<16xi1>
        %sub3A_105 = vector.broadcast %add3A_50 : i32 to vector<16xi32>
        %sub3A_106 = arith.subi %get3A_36, %sub3A_105 : vector<16xi32>
        %jit3A_107 = arith.constant 0 : i32
        %broadcast_in_dim3A_108 = vector.broadcast %jit3A_107 : i32 to vector<16xi32>
        %select_n3A_109 = arith.select %and3A_68, %sub3A_106, %broadcast_in_dim3A_108 : vector<16xi1>, vector<16xi32>
        %broadcast_in_dim3A_110 = arith.constant 0.000000e+00 : f32
        %broadcast_in_dim3A_111 = vector.broadcast %broadcast_in_dim3A_110 : f32 to vector<16xf32>
        tpu.vector_store_idx %arg8[%select_n3A_109], %broadcast_in_dim3A_111 masked %and3A_68 : memref<32768xf32, #tpu.memory_space<vmem>>[vector<16xi32>], vector<16xf32>, vector<16xi1>
        %sub3A_112 = vector.broadcast %add3A_50 : i32 to vector<16xi32>
        %sub3A_113 = arith.subi %get3A_38, %sub3A_112 : vector<16xi32>
        %jit3A_114 = arith.constant 0 : i32
        %broadcast_in_dim3A_115 = vector.broadcast %jit3A_114 : i32 to vector<16xi32>
        %select_n3A_116 = arith.select %and3A_75, %sub3A_113, %broadcast_in_dim3A_115 : vector<16xi1>, vector<16xi32>
        %broadcast_in_dim3A_117 = arith.constant 0.000000e+00 : f32
        %broadcast_in_dim3A_118 = vector.broadcast %broadcast_in_dim3A_117 : f32 to vector<16xf32>
        tpu.vector_store_idx %arg8[%select_n3A_116], %broadcast_in_dim3A_118 masked %and3A_75 : memref<32768xf32, #tpu.memory_space<vmem>>[vector<16xi32>], vector<16xf32>, vector<16xi1>
      } else {
      }
      %scan3A_93 = arith.constant 0 : i32
      scf.yield %scan3A_93 : i32
    }
    %scan3A_45 = arith.constant 8 : i32
    return
  }
}

</mosaic_0001>

<sc_bundles>
// kernel: kernel.4.cloned.1.call-start
scs
__scs_entry_jumppad:
0x0: {  	(pc) =	sbr.rel $0x88, $3  }
0x1: {  	(tag) =	ssettag $0x0;
	lr =	simm.s32 $0x1  }
0x2: {  	[smem:$0x3FA0] =	sst lr;
	_ =	strace $0xD0000000  }
0x3: {  	_ = 	snop  }
0x4: {  	_ = 	snop  }
0x5: {  	_ = 	snop  }
0x6: {  	_ = 	snop  }
0x7: {  	_ = 	snop  }
__scs_overlays_trampoline_lowered:
0x8: {  	[smem:$0x3FAF] =	sst s0  }
0x9: {  	[smem:$0x3FB0] =	sst s1  }
0xa: {  	[smem:$0x3FB1] =	sst s2  }
0xb: {  	[smem:$0x3FB2] =	sst s3  }
0xc: {  	[smem:$0x3FB3] =	sst s4  }
0xd: {  	[smem:$0x3FB4] =	sst s5  }
0xe: {  	[smem:$0x3FB5] =	sst s6  }
0xf: {  	[smem:$0x3FB6] =	sst s7  }
0x10: {  	[smem:$0x3FB7] =	sst s8  }
0x11: {  	[smem:$0x3FB8] =	sst s9;
	s0 =	simm.s32 @!p0 $0x0  }
0x12: {  	s1 =	sld [smem:$0x3F9E];
	s0 =	simm.s32 @p0 $0x1  }
0x13: {  	[smem:$0x3FB9] =	sst s0;
	s0 =	simm.s32 @!p1 $0x0  }
0x14: {  	s2 =	sld [smem:$0x3F9D];
	s0 =	simm.s32 @p1 $0x1  }
0x15: {  	[smem:$0x3FBA] =	sst s0;
	s0 =	simm.s32 @!p2 $0x0  }
0x16: {  	s3 =	sld [smem:$0x3FDB];
	s0 =	simm.s32 @p2 $0x1  }
0x17: {  	s4 =	simm.s32 $0x1BF5;
	[smem:$0x3FBC] =	sst s0  }
0x18: {  	s0 =	sld [smem:$0x3F9F];
	_ =	swait.ge [sflag:s4], $0x0  }
0x19: {  	s7 =	sld [smem:$0x3FA0]  }
0x1a: {  	s8 =	sadd.s32 $0xFFFFE003, lr  }
0x1b: {  	s9 =	sadd.s32 $0xFFFFFEF7, lr;
	s5 =	simm.s32 $0xFFFFFFFF;
	p2 =	slt.u32 s8, $0xFFFFF086  }
0x1c: {  	p1 =	slt.u32 s9, $0xF7A;
	s5 =	simm.s32 @!p2 $0x0  }
0x1d: {  	s5 =	simm.s32 @p1 $0x1;
	p0 =	seq.s32 s7, s2  }
0x1e: {  	s7 =	smul.u32 @!p0 $0xF7A, s2;
	p2 =	seq.s32 @!p0 s5, $0x0  }
0x1f: {  	s9 =	smul.u32 $0xF7A, s1;
	s8 =	simm.s32 @!p0 $0x1BF5;
	p2 =	por !p2, p0  }
0x20: {  	[sflag:s8] =	ssyncset.s32 @!p0 $0xFFFFF086;
	s6 =	sadd.s32 @!p0 s3, s7;
	s7 =	simm.s32 @!p0 $0x108  }
0x21: {  	s3 =	sadd.s32 s3, s9;
	s6 =	sadd.s32 @!p0 $0x88, s6;
	s7 =	simm.s32 @p2 $0x1082  }
0x22: {  	[simem:s7], [sflag:s8] =	dma.local @!p0 [hbm:s6], $0xF7A  }
0x23: {  	s9 =	sor.u32 $0xD0000000, s2;
	s6 =	simm.s32 $0x108;
	_ =	swait.ge @!p0 [sflag:s8], $0x0  }
0x24: {  	s3 =	sadd.s32 $0x88, s3;
	s6 =	simm.s32 @!p1 $0x1082;
	[sflag:s4] =	ssyncset.s32 $0xFFFFF086  }
0x25: {  	[simem:s6], [sflag:s4] =	dma.local [hbm:s3], $0xF7A  }
0x26: {  	[smem:$0x3FA0] =	sst s1;
	(tag) =	ssettag s2;
	_ =	strace s9  }
0x27: {  	s1 =	sld [smem:$0x3FB0]  }
0x28: {  	s2 =	sld [smem:$0x3FB1]  }
0x29: {  	s4 =	sld [smem:$0x3FB3]  }
0x2a: {  	p0 =	seq.s32 s5, $0x0;
	s5 =	sld [smem:$0x3FB4]  }
0x2b: {  	s6 =	sld [smem:$0x3FB5]  }
0x2c: {  	s7 =	sld [smem:$0x3FB6]  }
0x2d: {  	s3 =	simm.s32 $0x108;
	s8 =	sld [smem:$0x3FB7]  }
0x2e: {  	s3 =	simm.s32 @!p0 $0x1082;
	s9 =	sld [smem:$0x3FB8]  }
0x2f: {  	lr =	sadd.s32 s0, s3;
	s0 =	sld [smem:$0x3FAF]  }
0x30: {  	s3 =	sld [smem:$0x3FB2]  }
0x31: {  	[smem:$0x3FBB] =	sst s10  }
0x32: {  	s10 =	sld [smem:$0x3FB9];
	_ =	sdelay $0x3  }
0x33: {  	p0 =	seq.s32 s10, $0x1;
	s10 =	sld [smem:$0x3FBB];
	_ =	sdelay $0x3  }
0x34: {  	[smem:$0x3FBB] =	sst s10  }
0x35: {  	s10 =	sld [smem:$0x3FBA];
	_ =	sdelay $0x3  }
0x36: {  	p1 =	seq.s32 s10, $0x1;
	s10 =	sld [smem:$0x3FBB];
	_ =	sdelay $0x3  }
0x37: {  	[smem:$0x3FBB] =	sst s10  }
0x38: {  	s10 =	sld [smem:$0x3FBC]  }
0x39: {  	_ = 	snop;
	(pc) =	sbr.ind lr, $3  }
0x3a: {  	_ = 	snop  }
0x3b: {  	_ = 	snop  }
0x3c: {  	p2 =	seq.s32 s10, $0x1;
	s10 =	sld [smem:$0x3FBB]  }
0x3d: {  	_ =	shalt  }
0x3e: {  	_ =	shalt  }
0x3f: {  	_ =	shalt  }
0x40: {  	_ =	shalt  }
0x41: {  	_ =	shalt  }
0x42: {  	_ =	shalt  }
0x43: {  	_ =	shalt  }
0x44: {  	_ =	shalt  }
0x45: {  	_ =	shalt  }
0x46: {  	_ =	shalt  }
0x47: {  	_ =	shalt  }
0x48: {  	_ =	shalt  }
0x49: {  	_ =	shalt  }
0x4a: {  	_ =	shalt  }
0x4b: {  	_ =	shalt  }
0x4c: {  	_ =	shalt  }
0x4d: {  	_ =	shalt  }
0x4e: {  	_ =	shalt  }
0x4f: {  	_ =	shalt  }
0x50: {  	_ =	shalt  }
0x51: {  	_ =	shalt  }
0x52: {  	_ =	shalt  }
0x53: {  	_ =	shalt  }
0x54: {  	_ =	shalt  }
0x55: {  	_ =	shalt  }
0x56: {  	_ =	shalt  }
0x57: {  	_ =	shalt  }
0x58: {  	_ =	shalt  }
0x59: {  	_ =	shalt  }
0x5a: {  	_ =	shalt  }
0x5b: {  	_ =	shalt  }
0x5c: {  	_ =	shalt  }
0x5d: {  	_ =	shalt  }
0x5e: {  	_ =	shalt  }
0x5f: {  	_ =	shalt  }
0x60: {  	_ =	shalt  }
0x61: {  	_ =	shalt  }
0x62: {  	_ =	shalt  }
0x63: {  	_ =	shalt  }
0x64: {  	_ =	shalt  }
0x65: {  	_ =	shalt  }
0x66: {  	_ =	shalt  }
0x67: {  	_ =	shalt  }
0x68: {  	_ =	shalt  }
0x69: {  	_ =	shalt  }
0x6a: {  	_ =	shalt  }
0x6b: {  	_ =	shalt  }
0x6c: {  	_ =	shalt  }
0x6d: {  	_ =	shalt  }
0x6e: {  	_ =	shalt  }
0x6f: {  	_ =	shalt  }
0x70: {  	_ =	shalt  }
0x71: {  	_ =	shalt  }
0x72: {  	_ =	shalt  }
0x73: {  	_ =	shalt  }
0x74: {  	_ =	shalt  }
0x75: {  	_ =	shalt  }
0x76: {  	_ =	shalt  }
0x77: {  	_ =	shalt  }
0x78: {  	_ =	shalt  }
0x79: {  	_ =	shalt  }
0x7a: {  	_ =	shalt  }
0x7b: {  	_ =	shalt  }
0x7c: {  	_ =	shalt  }
0x7d: {  	_ =	shalt  }
0x7e: {  	_ =	shalt  }
0x7f: {  	_ =	shalt  }
0x80: {  	_ =	shalt  }
0x81: {  	_ =	shalt  }
0x82: {  	_ =	shalt  }
0x83: {  	_ =	shalt  }
0x84: {  	_ =	shalt  }
0x85: {  	_ =	shalt  }
0x86: {  	_ =	shalt  }
0x87: {  	_ =	shalt  }
.Lfunc_end0:
.L_simem_size_0:
called_computation_lowered:
.L_overlay_start_0:
0x88: {  	s2 =	sld [smem:$0x3FD9]  }
0x89: {  	s3 =	sld [smem:$0x3FFE];
	_ =	sdelay $0x1  }
0x8a: {  	s1 =	srdreg.scid  }
0x8b: {  	s0 =	sand.u32 $0x1, s1  }
0x8c: {  	s17 =	sshll.u32 s0, $0xA;
	s2 =	sadd.s32 s3, s2  }
0x8d: {  	s2 =	sadd.s32 s2, s17  }
0x8e: {  	[smem:$0x3FC7] =	sst s2  }
0x8f: {  	_ = 	snop  }
0x90: {  	s2 =	sld [smem:$0x3FC9];
	(tm) =	ssettm $0x1  }
0x91: {  	s18 =	sld [smem:$0x3FFB];
	_ =	sdelay $0x3  }
0x92: {  	_ =	strace s18  }
0x93: {  	s3 =	sld [smem:$0x3FFC];
	_ =	sdelay $0x3  }
0x94: {  	_ =	strace s3  }
0x95: {  	s3 =	sld [smem:$0x3FFD];
	_ =	sdelay $0x3  }
0x96: {  	_ =	strace s3  }
0x97: {  	_ =	strace $0x8FFFFFFF  }
0x98: {  	s19 =	sld [smem:$0x3FDB];
	_ =	sdelay $0x1  }
0x99: {  	s4 =	simm.s32 $_scs_section_size  }
0x9a: {  	s5 =	simm.s32 $_size__tile_overlayer_lowered;
	s6 =	simm.s32 $_tile_overlayer_lowered  }
0x9b: {  	s22 =	simm.s32 $0x1BFF;
	s21 =	sshll.u32 s6, $0x1;
	s3 =	sadd.s32 s4, s19  }
0x9c: {  	s7 =	simm.s32 $0x0;
	s20 =	sshll.u32 s5, $0x1;
	s5 =	sadd.s32 s21, s3  }
0x9d: {  	[timem:s7], [sflag:s22] =	dma.local [hbm:s5], s20  }
0x9e: {  	_ =	swait.ge [sflag:s22], s20  }
0x9f: {  	s4 =	ssub.s32 $0x0, s20;
	[sflag:s22] =	ssyncset.done $0x0  }
0xa0: {  	[sflag:s22] =	ssyncadd.s32 s4;
	_ =	sdelay $0x1  }
0xa1: {  	s23 =	simm.s32 $0x1B8B  }
0xa2: {  	_ =	swait.ge [sflag:s23], $0x1  }
0xa3: {  	[sflag:s23] =	ssyncset.done $0x0  }
0xa4: {  	s25 =	simm.s32 $0x1B8E;
	s24 =	sld [smem:$0x3FFE];
	[sflag:s23] =	ssyncadd.s32 $0xFFFFFFFF  }
0xa5: {  	s26 =	simm.s32 $execute0_lowered;
	[smem:$0x3FD2] =	sst s25  }
0xa6: {  	s5 =	sshll.u32 s26, $0x1;
	_ =	strace $0x80000046;
	[dreg:$0x1] =	wrdreg $0xFFFFFFFF  }
0xa7: {  	s28 =	simm.s32 $_size_execute0_lowered;
	s3 =	sadd.s32 s3, s5;
	[dreg:$0x0] =	wrdreg $0x0  }
0xa8: {  	s5 =	sshll.u32 s28, $0x1;
	[dreg:$0x2] =	wrdreg s3  }
0xa9: {  	[dreg:$0x3] =	wrdreg s5  }
0xaa: {  	[dreg:$0x4] =	wrdreg $0xC0  }
0xab: {  	_ =	task [dreg:s7], $0x5FFFF  }
0xac: {  	[dreg:$0x1] =	wrdreg $0xFFFFFFFF  }
0xad: {  	[dreg:$0x0] =	wrdreg $0x60  }
0xae: {  	[dreg:$0x2] =	wrdreg s2  }
0xaf: {  	[dreg:$0x3] =	wrdreg s24  }
0xb0: {  	[dreg:$0x4] =	wrdreg $0x9  }
0xb1: {  	_ =	task.clear_ibuf [dreg:s7], $0x5FFFF;
	_ =	strace $0x90000046  }
0xb2: {  	s29 =	simm.s32 $0x9;
	_ =	strace $0x80000048  }
0xb3: {  	_ =	swait.ge [sflag:s29], $0x1  }
0xb4: {  	[sflag:s29] =	ssyncadd.s32 $0xFFFFFFFF  }
0xb5: {  	_ =	strace $0x90000048  }
0xb6: {  	_ =	sfence  }
0xb7: {  	s30 =	sld [smem:$0x0];
	_ =	sdelay $0x2  }
0xb8: {  	s31 =	sshll.u32 s1, $0xD;
	s1 =	sshrl.u32 s1, $0x2  }
0xb9: {  	s3 =	sand.u32 $0x4000, s31;
	s1 =	sadd.s32 s1, s30  }
0xba: {  	s0 =	sor.u32 s3, s0;
	s1 =	sshll.u32 s1, $0x11  }
0xbb: {  	s0 =	sor.u32 s1, s0  }
0xbc: {  	s0 =	sadd.s32 $0x8F2B, s0  }
0xbd: {  	[sflag:s0] =	ssyncadd.remote.s32 $0x1  }
0xbe: {  	_ =	sfence.sel $0xFFFF  }
0xbf: {  	[dreg:$0x0] =	wrdreg $0xFFFFFFFF;
	(pc) =	sbr.abs _section_cstart, $3  }
0xc0: {  	[dreg:$0x1] =	wrdreg $0xFFFFFFFF  }
0xc1: {  	_ =	task.clear_ibuf [dreg:s7], $0x2FFFF;
	_ =	strace $0x9FFFFFFF  }
0xc2: {  	(tm) =	ssettm $0x7FFFFFFF  }
0xc3: {  	_ =	shalt  }
tec
execute0_lowered:
.L_overlay_start_1:
0x0: {  	(tag) =	ssettag $0x1  }
0x1: {  	s2 =	rddreg [dreg:$0x0]  }
0x2: {  	s4 =	rddreg [dreg:$0x1]  }
0x3: {  	s3 =	srdreg.scid;
	s1 =	stileid.u32  }
0x4: {  	s0 =	rddreg [dreg:$0x2];
	s9 =	simm.s32 $0x1;
	s10 =	simm.s32 $0x8800  }
0x5: {  	s11 =	simm.s32 $0x8880;
	s12 =	simm.s32 $0x8000;
	s13 =	simm.s32 $0x8400  }
0x6: {  	s14 =	simm.s32 $0x40;
	s5 =	sand.u32 $0x1, s3;
	s6 =	sshll.u32 s1, $0x1  }
0x7: {  	s15 =	simm.s32 $0x0;
	s3 =	simm.s32 $0x0;
	s6 =	sor.u32 s5, s6  }
0x8: {  	s5 =	ssub.s32 $0x2, s5;
	[smem:$0x7FF] =	sst s3;
	s7 =	sshll.u32 s6, $0x3  }
0x9: {  	s8 =	sshrl.u32 s5, $0x1;
	_ =	strace $0x80000047;
	s7 =	sadd.s32 s7, s4  }
0xa: {  	s8 =	ssub.s32 s5, s8;
	s4 =	sshll.u32 s6, $0x12;
	s5 =	sadd.s32 $0xC00, s7  }
0xb: {  	v0 =	vimm.f32 $-Inf;
	v1 =	vimm.s32 $0x7FFFFFFF;
	v2 =	vlaneseq.u32;
	s6 =	sadd.s32 $0xE00, s7;
	s7 =	smax.u32 s8, $0x1;
	s8 =	simm.s32 $0xFF800000  }
.LBB2_1:
0xc: {  	s16 =	simm.s32 $0x40;
	s17 =	simm.s32 $0x0  }
.LBB2_2:
0xd: {  	p0 =	sne.s32 s16, $0xFC0;
	[tilespmem:s17+$0x8000] =	vst v0;
	s18 =	smov.u32 s16;
	s16 =	sadd.s32 $0x40, s16  }
.Ltmp0:
0xe: {  	[tilespmem:s17+$0x8400] =	vst v1;
	(pc) =	sbr.rel @p0 .LBB2_2-.Ltmp0, $2  }
0xf: {  	_ =	sdelay $0x2  }
0x10: {  	s17 =	sshra.s32 s18, $0x2  }
.Ltmp1:
0x11: {  	(pc) =	sbr.rel .LBB2_4-.Ltmp1, $4  }
0x12: {  	_ = 	snop  }
0x13: {  	s16 =	simm.s32 $0x0  }
0x14: {  	[tilespmem:s17+$0x8000] =	vst v0;
	[smem:$0x0] =	sst s16  }
0x15: {  	[tilespmem:s17+$0x8400] =	vst v1;
	s17 =	simm.s32 $0x0;
	[smem:$0x80] =	sst s8  }
.LBB2_13:
0x16: {  	s17 =	sadd.s32 $0x1, s17  }
0x17: {  	p0 =	sne.s32 s17, $0x8  }
.Ltmp2:
0x18: {  	_ = 	snop;
	(pc) =	sbr.rel @!p0 .LBB2_14-.Ltmp2, $2  }
0x19: {  	_ =	sdelay $0x2  }
0x1a: {  	s18 =	simm.s32 $0x0  }
.LBB2_4:
0x1b: {  	s18 =	sshll.u32 s17, $0xF  }
0x1c: {  	s18 =	sadd.s32 s4, s18  }
0x1d: {  	s19 =	sshrl.u32 s18, $0x3  }
.Ltmp3:
0x1e: {  	s19 =	sadd.s32 s2, s19;
	(pc) =	sbr.rel .LBB2_5-.Ltmp3, $4  }
0x1f: {  	[tilespmem:s16], [sflag:$0x1] =	stream.linear.gather [hbm4b:s19+s16], $0x8000, $0x38;
	[tilespmem:$0x8900] =	vst v63  }
0x20: {  	_ =	swait.ge [sflag:s9], $0x8000  }
0x21: {  	[sflag:s9] =	ssyncset.done $0x0  }
0x22: {  	s19 =	simm.s32 $0x0;
	[sflag:s9] =	ssyncadd.s32 $0xFFFF8000  }
.LBB2_12:
0x23: {  	s19 =	sadd.s32 $0x1, s19  }
0x24: {  	p0 =	sne.s32 s19, $0x100  }
.Ltmp4:
0x25: {  	_ = 	snop;
	(pc) =	sbr.rel @!p0 .LBB2_13-.Ltmp4, $1  }
0x26: {  	_ =	sdelay $0x3  }
.LBB2_5:
0x27: {  	s20 =	sshll.u32 s19, $0x7  }
0x28: {  	s20 =	sand.u32 $0x3FFFFF80, s20  }
0x29: {  	v10 =	vld [tilespmem:s20+$0x0]  }
0x2a: {  	v9 =	vld [tilespmem:s20+$0x10]  }
0x2b: {  	v8 =	vld [tilespmem:s20+$0x20]  }
0x2c: {  	v7 =	vld [tilespmem:s20+$0x30]  }
0x2d: {  	v6 =	vld [tilespmem:s20+$0x40]  }
0x2e: {  	v5 =	vld [tilespmem:s20+$0x50]  }
0x2f: {  	v4 =	vld [tilespmem:s20+$0x60];
	v11 =	vmax.f32 v10, v9  }
0x30: {  	v3 =	vld [tilespmem:s20+$0x70];
	v11 =	vmax.f32 v11, v8  }
0x31: {  	v11 =	vmax.f32 v11, v7  }
0x32: {  	v11 =	vmax.f32 v11, v6  }
0x33: {  	v11 =	vmax.f32 v11, v5  }
0x34: {  	v11 =	vmax.f32 v11, v4  }
0x35: {  	v11 =	vmax.f32 v11, v3  }
0x36: {  	(xrf0) =	vmax.scan.msk.f32 $0xffff, v11;
	_ =	sdelay $0x5  }
0x37: {  	v11, _, _ =	vpop (xrf0)  }
0x38: {  	(v2sf) =	vpush v11, $0xF;
	_ =	sdelay $0xc  }
0x39: {  	s20 =	sld [smem:$0x80];
	_ =	sdelay $0x1  }
0x3a: {  	s21 =	spop (v2sf)  }
0x3b: {  	p0 =	sge.f32 s21, s20;
	_ =	sdelay $0x1  }
0x3c: {  	vm7 =	vge.f32 @p0 v10, s20;
	v11 =	vimm.s32 @p0 $0x0  }
0x3d: {  	v12 =	vsel @p0 vm7, $0x1, v11  }
0x3e: {  	(xrf0) =	vadd.scan.msk.s32 @p0 $0xffff, v12;
	_ =	sdelay $0x5  }
0x3f: {  	v12, _, _ =	vpop @p0 (xrf0)  }
0x40: {  	vm5 =	vge.f32 @p0 v9, s20;
	v13 =	vxor.u32 @p0 $0x80000000, v12  }
0x41: {  	(xrf0) =	vmax.scan.msk.u32 @p0 $0xffff, v13;
	v13 =	vsel @p0 vm5, $0x1, v11  }
0x42: {  	(xrf0) =	vadd.scan.msk.s32 @p0 $0xffff, v13;
	_ =	sdelay $0x4  }
0x43: {  	v13, _, _ =	vpop @p0 (xrf0)  }
0x44: {  	v14, _, _ =	vpop @p0 (xrf0)  }
0x45: {  	vm1 =	vge.f32 @p0 v8, s20;
	v15 =	vxor.u32 @p0 $0x80000000, v14  }
0x46: {  	(xrf0) =	vmax.scan.msk.u32 @p0 $0xffff, v15;
	v15 =	vsel @p0 vm1, $0x1, v11  }
0x47: {  	(xrf0) =	vadd.scan.msk.s32 @p0 $0xffff, v15;
	_ =	sdelay $0x4  }
0x48: {  	v15, _, _ =	vpop @p0 (xrf0)  }
0x49: {  	v16, _, _ =	vpop @p0 (xrf0)  }
0x4a: {  	vm0 =	vge.f32 @p0 v7, s20;
	v17 =	vxor.u32 @p0 $0x80000000, v16  }
0x4b: {  	(xrf0) =	vmax.scan.msk.u32 @p0 $0xffff, v17;
	v17 =	vsel @p0 vm0, $0x1, v11  }
0x4c: {  	(xrf0) =	vadd.scan.msk.s32 @p0 $0xffff, v17;
	_ =	sdelay $0x4  }
0x4d: {  	v17, _, _ =	vpop @p0 (xrf0)  }
0x4e: {  	v18, _, _ =	vpop @p0 (xrf0)  }
0x4f: {  	vm2 =	vge.f32 @p0 v6, s20;
	v19 =	vxor.u32 @p0 $0x80000000, v18  }
0x50: {  	(xrf0) =	vmax.scan.msk.u32 @p0 $0xffff, v19;
	v19 =	vsel @p0 vm2, $0x1, v11  }
0x51: {  	(xrf0) =	vadd.scan.msk.s32 @p0 $0xffff, v19;
	_ =	sdelay $0x4  }
0x52: {  	v19, _, _ =	vpop @p0 (xrf0)  }
0x53: {  	v20, _, _ =	vpop @p0 (xrf0)  }
0x54: {  	vm3 =	vge.f32 @p0 v5, s20;
	v21 =	vxor.u32 @p0 $0x80000000, v20  }
0x55: {  	(xrf0) =	vmax.scan.msk.u32 @p0 $0xffff, v21;
	v21 =	vsel @p0 vm3, $0x1, v11  }
0x56: {  	(xrf0) =	vadd.scan.msk.s32 @p0 $0xffff, v21;
	_ =	sdelay $0x4  }
0x57: {  	v21, _, _ =	vpop @p0 (xrf0)  }
0x58: {  	v22, _, _ =	vpop @p0 (xrf0)  }
0x59: {  	vm4 =	vge.f32 @p0 v4, s20;
	v23 =	vxor.u32 @p0 $0x80000000, v22  }
0x5a: {  	(xrf0) =	vmax.scan.msk.u32 @p0 $0xffff, v23;
	v23 =	vsel @p0 vm4, $0x1, v11  }
0x5b: {  	(xrf0) =	vadd.scan.msk.s32 @p0 $0xffff, v23;
	_ =	sdelay $0x1  }
0x5c: {  	(v2sf) =	vpush @p0 v13, $0xF;
	_ =	sdelay $0x2  }
0x5d: {  	v13, _, _ =	vpop @p0 (xrf0)  }
0x5e: {  	(v2sf) =	vpush @p0 v15, $0xF;
	v15, _, _ =	vpop @p0 (xrf0)  }
0x5f: {  	vm6 =	vge.f32 @p0 v3, s20;
	v23 =	vxor.u32 @p0 $0x80000000, v15  }
0x60: {  	v11 =	vsel @p0 vm6, $0x1, v11;
	(xrf0) =	vmax.scan.msk.u32 @p0 $0xffff, v23  }
0x61: {  	(v2sf) =	vpush @p0 v17, $0xF;
	(xrf0) =	vadd.scan.msk.s32 @p0 $0xffff, v11;
	_ =	sdelay $0x1  }
0x62: {  	(v2sf) =	vpush @p0 v19, $0xF;
	_ =	sdelay $0x2  }
0x63: {  	(v2sf) =	vpush @p0 v21, $0xF;
	v11, _, _ =	vpop @p0 (xrf0)  }
0x64: {  	s20 =	sld @p0 [smem:$0x0];
	(v2sf) =	vpush @p0 v13, $0xF;
	v13, _, _ =	vpop @p0 (xrf0)  }
0x65: {  	(v2sf) =	vpush @p0 v11, $0xF;
	v11 =	vxor.u32 @p0 $0x80000000, v13  }
0x66: {  	s21 =	spop @p0 (v2sf);
	(xrf0) =	vmax.scan.msk.u32 @p0 $0xffff, v11  }
0x67: {  	v11 =	vmov @p0 s20;
	s20 =	sadd.s32 @p0 s21, s20  }
0x68: {  	s20 =	sadd.s32 @p0 $0x80000000, s20  }
0x69: {  	v11 =	vadd.s32 @p0 $0xFFFFFFFF, v11;
	v17 =	vmov @p0 s20  }
0x6a: {  	v11 =	vbroadcast @p0 v11, $0x0  }
0x6b: {  	s21 =	spop @p0 (v2sf)  }
0x6c: {  	s20 =	sadd.s32 @p0 s21, s20;
	v11 =	vadd.s32 @p0 v12, v11;
	v12 =	vadd.s32 @p0 $0xFFFFFFFF, v17;
	v17, _, _ =	vpop @p0 (xrf0)  }
0x6d: {  	s21 =	spop @p0 (v2sf);
	s20 =	sadd.s32 @p0 $0x80000000, s20;
	(v2sf) =	vpush @p0 v17, $0xF  }
0x6e: {  	v19 =	vmov @p0 s20;
	s20 =	sadd.s32 @p0 s21, s20;
	v12 =	vbroadcast @p0 v12, $0x0  }
0x6f: {  	s21 =	spop @p0 (v2sf);
	s20 =	sadd.s32 @p0 $0x80000000, s20;
	v17 =	vadd.s32 @p0 $0xFFFFFFFF, v19  }
0x70: {  	v12 =	vadd.s32 @p0 v14, v12;
	v14 =	vbroadcast @p0 v17, $0x0;
	v17 =	vmov @p0 s20;
	s20 =	sadd.s32 @p0 s21, s20  }
0x71: {  	s22 =	sshll.u32 @p0 s19, $0x7;
	v19 =	vlaneseq.u32 @p0;
	v17 =	vadd.s32 @p0 $0xFFFFFFFF, v17;
	s20 =	sadd.s32 @p0 $0x80000000, s20  }
0x72: {  	s23 =	simm.s32 @p0 $0x8000;
	s22 =	sadd.s32 @p0 s18, s22;
	v14 =	vadd.s32 @p0 v16, v14;
	v16 =	vbroadcast @p0 v17, $0x0;
	v17 =	vmov @p0 s20  }
0x73: {  	s24 =	simm.s32 @p0 $0x8400;
	s21 =	spop @p0 (v2sf);
	[tilespmem:v11+s23+$0x0] =	vst.idx.msk @p0 vm7, v10;
	v10 =	vor.u32 @p0 s22, v19;
	v17 =	vadd.s32 @p0 $0xFFFFFFFF, v17  }
0x74: {  	s25 =	sor.u32 @p0 $0x10, s22;
	s20 =	sadd.s32 @p0 s21, s20;
	[tilespmem:v11+s24+$0x0] =	vst.idx.msk @p0 vm7, v10;
	v10 =	vadd.s32 @p0 v18, v16;
	v11 =	vbroadcast @p0 v17, $0x0  }
0x75: {  	s21 =	spop @p0 (v2sf);
	s20 =	sadd.s32 @p0 $0x80000000, s20;
	[tilespmem:v12+s23+$0x0] =	vst.idx.msk @p0 vm5, v9;
	v9 =	vor.u32 @p0 s25, v19  }
0x76: {  	v16 =	vmov @p0 s20;
	s20 =	sadd.s32 @p0 s21, s20;
	s25 =	sor.u32 @p0 $0x20, s22;
	[tilespmem:v12+s24+$0x0] =	vst.idx.msk @p0 vm5, v9;
	v9 =	vadd.s32 @p0 v20, v11  }
0x77: {  	s21 =	spop @p0 (v2sf);
	v16 =	vadd.s32 @p0 $0xFFFFFFFF, v16;
	s20 =	sadd.s32 @p0 $0x80000000, s20;
	[tilespmem:v14+s23+$0x0] =	vst.idx.msk @p0 vm1, v8;
	v8 =	vor.u32 @p0 s25, v19  }
0x78: {  	v11 =	vbroadcast @p0 v16, $0x0;
	v12 =	vmov @p0 s20;
	s20 =	sadd.s32 @p0 s21, s20;
	s21 =	sor.u32 @p0 $0x30, s22;
	[tilespmem:v14+s24+$0x0] =	vst.idx.msk @p0 vm1, v8  }
0x79: {  	[tilespmem:v10+s23+$0x0] =	vst.idx.msk @p0 vm0, v7;
	v7 =	vor.u32 @p0 s21, v19  }
0x7a: {  	v12 =	vadd.s32 @p0 $0xFFFFFFFF, v12;
	s20 =	sadd.s32 @p0 $0x80000000, s20;
	v8 =	vadd.s32 @p0 v22, v11;
	s21 =	sor.u32 @p0 $0x40, s22;
	[tilespmem:v10+s24+$0x0] =	vst.idx.msk @p0 vm0, v7  }
0x7b: {  	v11 =	vbroadcast @p0 v12, $0x0;
	v12 =	vmov @p0 s20;
	[tilespmem:v9+s23+$0x0] =	vst.idx.msk @p0 vm2, v6;
	v6 =	vor.u32 @p0 s21, v19;
	s21 =	sor.u32 @p0 $0x50, s22  }
0x7c: {  	v12 =	vadd.s32 @p0 $0xFFFFFFFF, v12;
	[tilespmem:v9+s24+$0x0] =	vst.idx.msk @p0 vm2, v6;
	v9 =	vor.u32 @p0 s21, v19;
	s21 =	spop @p0 (v2sf)  }
0x7d: {  	v7 =	vadd.s32 @p0 v15, v11;
	v10 =	vbroadcast @p0 v12, $0x0;
	s20 =	sadd.s32 @p0 s21, s20  }
0x7e: {  	s20 =	sadd.s32 @p0 $0x80000000, s20  }
0x7f: {  	v6 =	vadd.s32 @p0 v13, v10;
	p1 =	slt.s32 @p0 s20, $0x381  }
0x80: {  	[tilespmem:v8+s23+$0x0] =	vst.idx.msk @p0 vm3, v5;
	p1 =	por !p0, p1  }
.Ltmp5:
0x81: {  	s25 =	sor.u32 @p0 $0x60, s22;
	[tilespmem:v8+s24+$0x0] =	vst.idx.msk @p0 vm3, v9;
	(pc) =	sbr.rel @p1 .LBB2_12-.Ltmp5, $4  }
0x82: {  	v5 =	vor.u32 @p0 s25, v19;
	[tilespmem:v7+s23+$0x0] =	vst.idx.msk @p0 vm4, v4  }
0x83: {  	s21 =	sor.u32 @p0 $0x70, s22;
	[tilespmem:v7+s24+$0x0] =	vst.idx.msk @p0 vm4, v5  }
0x84: {  	v4 =	vor.u32 @p0 s21, v19;
	[tilespmem:v6+s23+$0x0] =	vst.idx.msk @p0 vm6, v3  }
0x85: {  	[smem:$0x0] =	sst @p0 s20;
	s20 =	simm.s32 @p0 $0x0;
	[tilespmem:v6+s24+$0x0] =	vst.idx.msk @p0 vm6, v4  }
.LBB2_6:
0x86: {  	s21 =	simm.s32 $0x8000  }
0x87: {  	s22 =	simm.s32 $0x8400;
	v7 =	vld [tilespmem:s21+$0x0]  }
0x88: {  	v6 =	vld [tilespmem:s22+$0x0];
	_ =	sdelay $0x3  }
0x89: {  	v5 =	vimm.f32 $-Inf;
	v4 =	vimm.s32 $0x7FFFFFFF;
	v3 =	vlaneseq.u32;
	s23 =	simm.s32 $0x10;
	s24 =	simm.s32 $0x8010;
	s21 =	simm.s32 $0x0  }
.LBB2_7:
0x8a: {  	v8 =	vld [tilespmem:s24+$0x0];
	vm0 =	veq.f32 v7, v5;
	vm1 =	vlt.s32 v6, v4;
	s22 =	sadd.s32 $0x10, s22;
	v9 =	vmov v6;
	s25 =	smov.u32 s23;
	p0 =	sne.s32 s23, $0x3F0  }
.Ltmp6:
0x8b: {  	s23 =	sadd.s32 $0x10, s23;
	vm2 =	vgt.f32 v7, v5;
	v6 =	vld [tilespmem:s22+$0x0];
	vm0 =	vmand vm0, vm1;
	(pc) =	sbr.rel @p0 .LBB2_7-.Ltmp6, $3  }
0x8c: {  	v10 =	vor.u32 s21, v2;
	s21 =	smov.u32 s25;
	vm0 =	vmor vm2, vm0  }
0x8d: {  	v5 =	vsel vm0, v7, v5;
	v4 =	vsel vm0, v9, v4;
	v3 =	vsel vm0, v10, v3;
	_ =	sdelay $0x1  }
0x8e: {  	s24 =	sadd.s32 $0x10, s24;
	v7 =	vmov v8  }
0x8f: {  	vm0 =	veq.f32 v7, v5;
	vm1 =	vlt.s32 v6, v4  }
0x90: {  	vm2 =	vgt.f32 v7, v5;
	vm0 =	vmand vm0, vm1  }
0x91: {  	vm0 =	vmor vm2, vm0  }
0x92: {  	v56 =	vsel vm0, v7, v5  }
0x93: {  	(xrf0) =	vmax.scan.msk.f32 $0xffff, v56;
	_ =	sdelay $0x5  }
0x94: {  	v57, _, _ =	vpop (xrf0)  }
0x95: {  	v7 =	vbroadcast v57, $0xF  }
0x96: {  	v58 =	vsel vm0, v6, v4  }
0x97: {  	v59 =	vxor.u32 $0x80000000, v58;
	vm14 =	veq.f32 v56, v7  }
0x98: {  	v5 =	vnsel vm14, $0xFFFFFFFF, v59  }
0x99: {  	(xrf0) =	vmin.scan.msk.u32 $0xffff, v5;
	_ =	sdelay $0x5  }
0x9a: {  	v5, _, _ =	vpop (xrf0)  }
0x9b: {  	(v2sf) =	vpush v5, $0xF;
	_ =	sdelay $0xe  }
0x9c: {  	s22 =	spop (v2sf)  }
0x9d: {  	v60 =	vor.u32 s21, v2;
	s30 =	sxor.u32 $0x80000000, s22  }
0x9e: {  	v3 =	vsel vm0, v60, v3;
	vm15 =	veq.s32 v58, s30  }
0x9f: {  	v3 =	vxor.u32 $0x80000000, v3;
	vm0 =	vmand vm14, vm15  }
0xa0: {  	v3 =	vnsel vm0, $0xFFFFFFFF, v3  }
0xa1: {  	(xrf0) =	vmin.scan.msk.u32 $0xffff, v3;
	_ =	sdelay $0x5  }
0xa2: {  	v3, _, _ =	vpop (xrf0)  }
0xa3: {  	(v2sf) =	vpush v3, $0xF;
	_ =	sdelay $0xe  }
0xa4: {  	v3 =	vmov s20;
	s31 =	spop (v2sf)  }
0xa5: {  	s22 =	sxor.u32 $0x80000000, s31  }
0xa6: {  	s20 =	sadd.s32 $0x1, s20;
	v61 =	vmov s22  }
0xa7: {  	v62 =	vadd.f32 $0.0e+00, v7;
	p0 =	sne.s32 s20, $0x40  }
.Ltmp7:
0xa8: {  	_ = 	snop;
	(pc) =	sbr.rel @p0 .LBB2_6-.Ltmp7, $4  }
0xa9: {  	v63 =	vmov s30;
	[tilespmem:v3+s10+$0x0] =	vst.idx.msk $0x1, v62  }
0xaa: {  	[tilespmem:v3+s11+$0x0] =	vst.idx.msk $0x1, v63  }
0xab: {  	[tilespmem:v61+s12+$0x0] =	vst.idx.msk $0x1, v0  }
0xac: {  	[tilespmem:v61+s13+$0x0] =	vst.idx.msk $0x1, v1  }
0xad: {  	s20 =	simm.s32 $0x40;
	s21 =	simm.s32 $0x0  }
.LBB2_10:
0xae: {  	p0 =	sne.s32 s20, $0xFC0;
	[tilespmem:s21+$0x8000] =	vst v0;
	s22 =	smov.u32 s20;
	s20 =	sadd.s32 $0x40, s20  }
.Ltmp8:
0xaf: {  	[tilespmem:s21+$0x8400] =	vst v1;
	(pc) =	sbr.rel @p0 .LBB2_10-.Ltmp8, $2  }
0xb0: {  	_ =	sdelay $0x2  }
0xb1: {  	s21 =	sshra.s32 s22, $0x2  }
0xb2: {  	[tilespmem:s21+$0x8000] =	vst v0  }
0xb3: {  	[tilespmem:s21+$0x8400] =	vst v1  }
0xb4: {  	v3 =	vld [tilespmem:$0x8830];
	_ =	sdelay $0x4  }
0xb5: {  	(xrf0) =	vmin.scan.msk.f32 $0xffff, v3;
	_ =	sdelay $0x5  }
0xb6: {  	v3, _, _ =	vpop (xrf0)  }
0xb7: {  	(v2sf) =	vpush v3, $0xF;
	_ =	sdelay $0x3  }
0xb8: {  	v4 =	vld [tilespmem:$0x8880]  }
0xb9: {  	v5 =	vld [tilespmem:$0x8810]  }
0xba: {  	v3 =	vld [tilespmem:$0x8800]  }
0xbb: {  	v6 =	vld [tilespmem:$0x8890]  }
0xbc: {  	v7 =	vld [tilespmem:$0x8820]  }
0xbd: {  	v62 =	vld [tilespmem:$0x8830];
	[tilespmem:$0x8400] =	vst v4  }
0xbe: {  	v63 =	vld [tilespmem:$0x88B0];
	[tilespmem:$0x8010] =	vst v5  }
0xbf: {  	[tilespmem:$0x8000] =	vst v3;
	v3 =	vld [tilespmem:$0x88A0]  }
.Ltmp9:
0xc0: {  	[tilespmem:$0x8410] =	vst v6;
	(pc) =	sbr.rel .LBB2_12-.Ltmp9, $4  }
0xc1: {  	[tilespmem:$0x8020] =	vst v7  }
0xc2: {  	[tilespmem:$0x8030] =	vst v62  }
0xc3: {  	[smem:$0x0] =	sst s14;
	[tilespmem:$0x8430] =	vst v63;
	s20 =	spop (v2sf)  }
0xc4: {  	[tilespmem:$0x8420] =	vst v3;
	[smem:$0x80] =	sst s20  }
.LBB2_14:
0xc5: {  	s16 =	simm.s32 $0x8000  }
0xc6: {  	s17 =	simm.s32 $0x8400;
	v7 =	vld [tilespmem:s16+$0x0]  }
0xc7: {  	v6 =	vld [tilespmem:s17+$0x0];
	_ =	sdelay $0x3  }
0xc8: {  	v5 =	vimm.f32 $-Inf;
	v4 =	vimm.s32 $0x7FFFFFFF;
	v3 =	vlaneseq.u32;
	s19 =	simm.s32 $0x10;
	s20 =	simm.s32 $0x8010;
	s16 =	simm.s32 $0x0  }
.LBB2_15:
0xc9: {  	v8 =	vld [tilespmem:s20+$0x0];
	vm0 =	veq.f32 v7, v5;
	vm1 =	vlt.s32 v6, v4;
	s17 =	sadd.s32 $0x10, s17;
	v9 =	vmov v6;
	s21 =	smov.u32 s19;
	p0 =	sne.s32 s19, $0x3F0  }
.Ltmp10:
0xca: {  	s19 =	sadd.s32 $0x10, s19;
	vm2 =	vgt.f32 v7, v5;
	v6 =	vld [tilespmem:s17+$0x0];
	vm0 =	vmand vm0, vm1;
	(pc) =	sbr.rel @p0 .LBB2_15-.Ltmp10, $3  }
0xcb: {  	v10 =	vor.u32 s16, v2;
	s16 =	smov.u32 s21;
	vm0 =	vmor vm2, vm0  }
0xcc: {  	v5 =	vsel vm0, v7, v5;
	v4 =	vsel vm0, v9, v4;
	v3 =	vsel vm0, v10, v3;
	_ =	sdelay $0x1  }
0xcd: {  	s20 =	sadd.s32 $0x10, s20;
	v7 =	vmov v8  }
0xce: {  	vm0 =	veq.f32 v7, v5;
	vm1 =	vlt.s32 v6, v4  }
0xcf: {  	vm2 =	vgt.f32 v7, v5;
	vm0 =	vmand vm0, vm1  }
0xd0: {  	vm0 =	vmor vm2, vm0  }
0xd1: {  	v56 =	vsel vm0, v7, v5  }
0xd2: {  	(xrf0) =	vmax.scan.msk.f32 $0xffff, v56;
	_ =	sdelay $0x5  }
0xd3: {  	v57, _, _ =	vpop (xrf0)  }
0xd4: {  	v7 =	vbroadcast v57, $0xF  }
0xd5: {  	v58 =	vsel vm0, v6, v4  }
0xd6: {  	v59 =	vxor.u32 $0x80000000, v58;
	vm14 =	veq.f32 v56, v7  }
0xd7: {  	v5 =	vnsel vm14, $0xFFFFFFFF, v59  }
0xd8: {  	(xrf0) =	vmin.scan.msk.u32 $0xffff, v5;
	_ =	sdelay $0x5  }
0xd9: {  	v5, _, _ =	vpop (xrf0)  }
0xda: {  	(v2sf) =	vpush v5, $0xF;
	_ =	sdelay $0xe  }
0xdb: {  	s17 =	spop (v2sf)  }
0xdc: {  	v60 =	vor.u32 s16, v2;
	s30 =	sxor.u32 $0x80000000, s17  }
0xdd: {  	v3 =	vsel vm0, v60, v3;
	vm15 =	veq.s32 v58, s30  }
0xde: {  	v3 =	vxor.u32 $0x80000000, v3;
	vm0 =	vmand vm14, vm15  }
0xdf: {  	v3 =	vnsel vm0, $0xFFFFFFFF, v3  }
0xe0: {  	(xrf0) =	vmin.scan.msk.u32 $0xffff, v3;
	_ =	sdelay $0x5  }
0xe1: {  	v3, _, _ =	vpop (xrf0)  }
0xe2: {  	(v2sf) =	vpush v3, $0xF;
	_ =	sdelay $0xe  }
0xe3: {  	v3 =	vmov s18;
	s31 =	spop (v2sf)  }
0xe4: {  	s17 =	sxor.u32 $0x80000000, s31  }
0xe5: {  	s18 =	sadd.s32 $0x1, s18;
	v61 =	vmov s17  }
0xe6: {  	v62 =	vadd.f32 $0.0e+00, v7;
	p0 =	sne.s32 s18, $0x40  }
.Ltmp11:
0xe7: {  	_ = 	snop;
	(pc) =	sbr.rel @p0 .LBB2_14-.Ltmp11, $4  }
0xe8: {  	v63 =	vmov s30;
	[tilespmem:v3+s10+$0x0] =	vst.idx.msk $0x1, v62  }
0xe9: {  	[tilespmem:v3+s11+$0x0] =	vst.idx.msk $0x1, v63  }
0xea: {  	[tilespmem:v61+s12+$0x0] =	vst.idx.msk $0x1, v0  }
0xeb: {  	[tilespmem:v61+s13+$0x0] =	vst.idx.msk $0x1, v1  }
0xec: {  	s16 =	simm.s32 $0x40;
	s17 =	simm.s32 $0x0  }
.LBB2_18:
0xed: {  	p0 =	sne.s32 s16, $0xFC0;
	[tilespmem:s17+$0x8000] =	vst v0;
	s18 =	smov.u32 s16;
	s16 =	sadd.s32 $0x40, s16  }
.Ltmp12:
0xee: {  	[tilespmem:s17+$0x8400] =	vst v1;
	(pc) =	sbr.rel @p0 .LBB2_18-.Ltmp12, $2  }
0xef: {  	_ =	sdelay $0x2  }
0xf0: {  	s17 =	sshra.s32 s18, $0x2  }
0xf1: {  	[tilespmem:s17+$0x8000] =	vst v0  }
0xf2: {  	[tilespmem:s17+$0x8400] =	vst v1  }
0xf3: {  	v3 =	vld [tilespmem:$0x8830];
	_ =	sdelay $0x4  }
0xf4: {  	(xrf0) =	vmin.scan.msk.f32 $0xffff, v3;
	_ =	sdelay $0x5  }
0xf5: {  	v3, _, _ =	vpop (xrf0)  }
0xf6: {  	(v2sf) =	vpush v3, $0xF  }
0xf7: {  	v4 =	vld [tilespmem:$0x8880]  }
0xf8: {  	v5 =	vld [tilespmem:$0x8810]  }
0xf9: {  	v3 =	vld [tilespmem:$0x8800]  }
0xfa: {  	v6 =	vld [tilespmem:$0x8890]  }
0xfb: {  	v7 =	vld [tilespmem:$0x8820]  }
0xfc: {  	v62 =	vld [tilespmem:$0x8830];
	[tilespmem:$0x8400] =	vst v4  }
0xfd: {  	v63 =	vld [tilespmem:$0x88B0];
	[tilespmem:$0x8010] =	vst v5  }
0xfe: {  	[tilespmem:$0x8000] =	vst v3;
	v3 =	vld [tilespmem:$0x88A0]  }
0xff: {  	[tilespmem:$0x8410] =	vst v6  }
0x100: {  	[tilespmem:$0x8020] =	vst v7  }
0x101: {  	[tilespmem:$0x8030] =	vst v62  }
0x102: {  	[tilespmem:$0x8430] =	vst v63  }
0x103: {  	[tilespmem:$0x8420] =	vst v3  }
0x104: {  	[hbm4b:s5+s3] =	stream.linear.scatter [tilespmem:s10], [sflag:$0x1], $0x40, $0x38;
	[tilespmem:$0x8900] =	vst v63  }
0x105: {  	[smem:$0x0] =	sst s14;
	s16 =	spop (v2sf)  }
0x106: {  	[smem:$0x80] =	sst s16  }
0x107: {  	s15 =	sadd.s32 $0x1, s15;
	_ =	swait.ge [sflag:s9], $0x40  }
0x108: {  	p0 =	sne.s32 s15, s7;
	[sflag:s9] =	ssyncset.done $0x0  }
.Ltmp13:
0x109: {  	[sflag:s9] =	ssyncadd.s32 $0xFFFFFFC0;
	(pc) =	sbr.rel @p0 .LBB2_1-.Ltmp13, $4  }
0x10a: {  	[hbm4b:s6+s3] =	stream.linear.scatter [tilespmem:s11], [sflag:$0x1], $0x40, $0x38;
	[tilespmem:$0x8900] =	vst v63  }
0x10b: {  	_ =	swait.ge [sflag:s9], $0x40  }
0x10c: {  	[sflag:s9] =	ssyncset.done $0x0  }
0x10d: {  	[sflag:s9] =	ssyncadd.s32 $0xFFFFFFC0  }
0x10e: {  	_ =	sfence.sel $0x180000  }
0x10f: {  	[bflag:$0x0] =	sbarrier.arrive $0xFFFF  }
0x110: {  	p0 =	sne.s32 s1, $0x0;
	_ =	strace $0x90000047  }
0x111: {  	s0 =	sadd.s32 @!p0 $0x100000, s0;
	[bflag:$0x2] =	sbarrier.arrive $0xFFFF  }
0x112: {  	[sflag:s0] =	ssyncadd.tile.s32 @!p0 $0x1;
	_ =	shalt  }
.Lfunc_end2:
_tile_overlayer_lowered:
.L_overlay_start_2:
0x113: {  	(tag) =	ssettag $0x2  }
0x114: {  	s0 =	rddreg [dreg:$0x0];
	s2 =	stileid.u32  }
0x115: {  	s1 =	rddreg [dreg:$0x1];
	p0 =	sne.s32 s2, $0x0  }
0x116: {  	s3 =	rddreg [dreg:$0x2];
	[bflag:$0x3] =	sbarrier.arrive $0xFFFF;
	s2 =	simm.s32 @!p0 $0x1C01  }
0x117: {  	[timem:s3], [sflag:s2] =	dma.local @!p0 [hbm:s0], s1  }
0x118: {  	s0 =	simm.s32 @!p0 $0x1  }
0x119: {  	_ =	swait.ge @!p0 [sflag:s0], s1  }
0x11a: {  	s1 =	ssub.s32 @!p0 $0x0, s1;
	[sflag:s0] =	ssyncset.done @!p0 $0x0  }
0x11b: {  	[sflag:s0] =	ssyncadd.s32 @!p0 s1  }
0x11c: {  	[bflag:$0x3] =	sbarrier.arrive $0xFFFF  }
0x11d: {  	_ =	shalt  }

// kernel: kernel.7.cloned.1.call-start
scs
__scs_entry_jumppad:
0x0: {  	(pc) =	sbr.rel $0x88, $3  }
0x1: {  	(tag) =	ssettag $0x0;
	lr =	simm.s32 $0x1  }
0x2: {  	[smem:$0x3FA0] =	sst lr;
	_ =	strace $0xD0000000  }
0x3: {  	_ = 	snop  }
0x4: {  	_ = 	snop  }
0x5: {  	_ = 	snop  }
0x6: {  	_ = 	snop  }
0x7: {  	_ = 	snop  }
__scs_overlays_trampoline_lowered:
0x8: {  	[smem:$0x3FAF] =	sst s0  }
0x9: {  	[smem:$0x3FB0] =	sst s1  }
0xa: {  	[smem:$0x3FB1] =	sst s2  }
0xb: {  	[smem:$0x3FB2] =	sst s3  }
0xc: {  	[smem:$0x3FB3] =	sst s4  }
0xd: {  	[smem:$0x3FB4] =	sst s5  }
0xe: {  	[smem:$0x3FB5] =	sst s6  }
0xf: {  	[smem:$0x3FB6] =	sst s7  }
0x10: {  	[smem:$0x3FB7] =	sst s8  }
0x11: {  	[smem:$0x3FB8] =	sst s9;
	s0 =	simm.s32 @!p0 $0x0  }
0x12: {  	s1 =	sld [smem:$0x3F9E];
	s0 =	simm.s32 @p0 $0x1  }
0x13: {  	[smem:$0x3FB9] =	sst s0;
	s0 =	simm.s32 @!p1 $0x0  }
0x14: {  	s2 =	sld [smem:$0x3F9D];
	s0 =	simm.s32 @p1 $0x1  }
0x15: {  	[smem:$0x3FBA] =	sst s0;
	s0 =	simm.s32 @!p2 $0x0  }
0x16: {  	s3 =	sld [smem:$0x3FDB];
	s0 =	simm.s32 @p2 $0x1  }
0x17: {  	s4 =	simm.s32 $0x1BF5;
	[smem:$0x3FBC] =	sst s0  }
0x18: {  	s0 =	sld [smem:$0x3F9F];
	_ =	swait.ge [sflag:s4], $0x0  }
0x19: {  	s7 =	sld [smem:$0x3FA0]  }
0x1a: {  	s8 =	sadd.s32 $0xFFFFE003, lr  }
0x1b: {  	s9 =	sadd.s32 $0xFFFFFEF7, lr;
	s5 =	simm.s32 $0xFFFFFFFF;
	p2 =	slt.u32 s8, $0xFFFFF086  }
0x1c: {  	p1 =	slt.u32 s9, $0xF7A;
	s5 =	simm.s32 @!p2 $0x0  }
0x1d: {  	s5 =	simm.s32 @p1 $0x1;
	p0 =	seq.s32 s7, s2  }
0x1e: {  	s7 =	smul.u32 @!p0 $0xF7A, s2;
	p2 =	seq.s32 @!p0 s5, $0x0  }
0x1f: {  	s9 =	smul.u32 $0xF7A, s1;
	s8 =	simm.s32 @!p0 $0x1BF5;
	p2 =	por !p2, p0  }
0x20: {  	[sflag:s8] =	ssyncset.s32 @!p0 $0xFFFFF086;
	s6 =	sadd.s32 @!p0 s3, s7;
	s7 =	simm.s32 @!p0 $0x108  }
0x21: {  	s3 =	sadd.s32 s3, s9;
	s6 =	sadd.s32 @!p0 $0x88, s6;
	s7 =	simm.s32 @p2 $0x1082  }
0x22: {  	[simem:s7], [sflag:s8] =	dma.local @!p0 [hbm:s6], $0xF7A  }
0x23: {  	s9 =	sor.u32 $0xD0000000, s2;
	s6 =	simm.s32 $0x108;
	_ =	swait.ge @!p0 [sflag:s8], $0x0  }
0x24: {  	s3 =	sadd.s32 $0x88, s3;
	s6 =	simm.s32 @!p1 $0x1082;
	[sflag:s4] =	ssyncset.s32 $0xFFFFF086  }
0x25: {  	[simem:s6], [sflag:s4] =	dma.local [hbm:s3], $0xF7A  }
0x26: {  	[smem:$0x3FA0] =	sst s1;
	(tag) =	ssettag s2;
	_ =	strace s9  }
0x27: {  	s1 =	sld [smem:$0x3FB0]  }
0x28: {  	s2 =	sld [smem:$0x3FB1]  }
0x29: {  	s4 =	sld [smem:$0x3FB3]  }
0x2a: {  	p0 =	seq.s32 s5, $0x0;
	s5 =	sld [smem:$0x3FB4]  }
0x2b: {  	s6 =	sld [smem:$0x3FB5]  }
0x2c: {  	s7 =	sld [smem:$0x3FB6]  }
0x2d: {  	s3 =	simm.s32 $0x108;
	s8 =	sld [smem:$0x3FB7]  }
0x2e: {  	s3 =	simm.s32 @!p0 $0x1082;
	s9 =	sld [smem:$0x3FB8]  }
0x2f: {  	lr =	sadd.s32 s0, s3;
	s0 =	sld [smem:$0x3FAF]  }
0x30: {  	s3 =	sld [smem:$0x3FB2]  }
0x31: {  	[smem:$0x3FBB] =	sst s10  }
0x32: {  	s10 =	sld [smem:$0x3FB9];
	_ =	sdelay $0x3  }
0x33: {  	p0 =	seq.s32 s10, $0x1;
	s10 =	sld [smem:$0x3FBB];
	_ =	sdelay $0x3  }
0x34: {  	[smem:$0x3FBB] =	sst s10  }
0x35: {  	s10 =	sld [smem:$0x3FBA];
	_ =	sdelay $0x3  }
0x36: {  	p1 =	seq.s32 s10, $0x1;
	s10 =	sld [smem:$0x3FBB];
	_ =	sdelay $0x3  }
0x37: {  	[smem:$0x3FBB] =	sst s10  }
0x38: {  	s10 =	sld [smem:$0x3FBC]  }
0x39: {  	_ = 	snop;
	(pc) =	sbr.ind lr, $3  }
0x3a: {  	_ = 	snop  }
0x3b: {  	_ = 	snop  }
0x3c: {  	p2 =	seq.s32 s10, $0x1;
	s10 =	sld [smem:$0x3FBB]  }
0x3d: {  	_ =	shalt  }
0x3e: {  	_ =	shalt  }
0x3f: {  	_ =	shalt  }
0x40: {  	_ =	shalt  }
0x41: {  	_ =	shalt  }
0x42: {  	_ =	shalt  }
0x43: {  	_ =	shalt  }
0x44: {  	_ =	shalt  }
0x45: {  	_ =	shalt  }
0x46: {  	_ =	shalt  }
0x47: {  	_ =	shalt  }
0x48: {  	_ =	shalt  }
0x49: {  	_ =	shalt  }
0x4a: {  	_ =	shalt  }
0x4b: {  	_ =	shalt  }
0x4c: {  	_ =	shalt  }
0x4d: {  	_ =	shalt  }
0x4e: {  	_ =	shalt  }
0x4f: {  	_ =	shalt  }
0x50: {  	_ =	shalt  }
0x51: {  	_ =	shalt  }
0x52: {  	_ =	shalt  }
0x53: {  	_ =	shalt  }
0x54: {  	_ =	shalt  }
0x55: {  	_ =	shalt  }
0x56: {  	_ =	shalt  }
0x57: {  	_ =	shalt  }
0x58: {  	_ =	shalt  }
0x59: {  	_ =	shalt  }
0x5a: {  	_ =	shalt  }
0x5b: {  	_ =	shalt  }
0x5c: {  	_ =	shalt  }
0x5d: {  	_ =	shalt  }
0x5e: {  	_ =	shalt  }
0x5f: {  	_ =	shalt  }
0x60: {  	_ =	shalt  }
0x61: {  	_ =	shalt  }
0x62: {  	_ =	shalt  }
0x63: {  	_ =	shalt  }
0x64: {  	_ =	shalt  }
0x65: {  	_ =	shalt  }
0x66: {  	_ =	shalt  }
0x67: {  	_ =	shalt  }
0x68: {  	_ =	shalt  }
0x69: {  	_ =	shalt  }
0x6a: {  	_ =	shalt  }
0x6b: {  	_ =	shalt  }
0x6c: {  	_ =	shalt  }
0x6d: {  	_ =	shalt  }
0x6e: {  	_ =	shalt  }
0x6f: {  	_ =	shalt  }
0x70: {  	_ =	shalt  }
0x71: {  	_ =	shalt  }
0x72: {  	_ =	shalt  }
0x73: {  	_ =	shalt  }
0x74: {  	_ =	shalt  }
0x75: {  	_ =	shalt  }
0x76: {  	_ =	shalt  }
0x77: {  	_ =	shalt  }
0x78: {  	_ =	shalt  }
0x79: {  	_ =	shalt  }
0x7a: {  	_ =	shalt  }
0x7b: {  	_ =	shalt  }
0x7c: {  	_ =	shalt  }
0x7d: {  	_ =	shalt  }
0x7e: {  	_ =	shalt  }
0x7f: {  	_ =	shalt  }
0x80: {  	_ =	shalt  }
0x81: {  	_ =	shalt  }
0x82: {  	_ =	shalt  }
0x83: {  	_ =	shalt  }
0x84: {  	_ =	shalt  }
0x85: {  	_ =	shalt  }
0x86: {  	_ =	shalt  }
0x87: {  	_ =	shalt  }
.Lfunc_end0:
.L_simem_size_0:
called_computation.1_lowered:
.L_overlay_start_0:
0x88: {  	s2 =	sld [smem:$0x3FD9]  }
0x89: {  	s3 =	sld [smem:$0x3FFE];
	_ =	sdelay $0x1  }
0x8a: {  	s1 =	srdreg.scid  }
0x8b: {  	s0 =	sand.u32 $0x1, s1  }
0x8c: {  	s17 =	sshll.u32 s0, $0xA;
	s2 =	sadd.s32 s3, s2  }
0x8d: {  	s2 =	sadd.s32 s2, s17  }
0x8e: {  	[smem:$0x3FC7] =	sst s2  }
0x8f: {  	_ = 	snop  }
0x90: {  	s2 =	sld [smem:$0x3FD0];
	(tm) =	ssettm $0x1  }
0x91: {  	s18 =	sld [smem:$0x3FFB];
	_ =	sdelay $0x3  }
0x92: {  	_ =	strace s18  }
0x93: {  	s3 =	sld [smem:$0x3FFC];
	_ =	sdelay $0x3  }
0x94: {  	_ =	strace s3  }
0x95: {  	s3 =	sld [smem:$0x3FFD];
	_ =	sdelay $0x3  }
0x96: {  	_ =	strace s3  }
0x97: {  	_ =	strace $0x8FFFFFFF  }
0x98: {  	s19 =	sld [smem:$0x3FDB];
	_ =	sdelay $0x1  }
0x99: {  	s4 =	simm.s32 $_scs_section_size  }
0x9a: {  	s5 =	simm.s32 $_size__tile_overlayer_lowered;
	s6 =	simm.s32 $_tile_overlayer_lowered  }
0x9b: {  	s22 =	simm.s32 $0x1BFF;
	s21 =	sshll.u32 s6, $0x1;
	s3 =	sadd.s32 s4, s19  }
0x9c: {  	s7 =	simm.s32 $0x0;
	s20 =	sshll.u32 s5, $0x1;
	s5 =	sadd.s32 s21, s3  }
0x9d: {  	[timem:s7], [sflag:s22] =	dma.local [hbm:s5], s20  }
0x9e: {  	_ =	swait.ge [sflag:s22], s20  }
0x9f: {  	s4 =	ssub.s32 $0x0, s20;
	[sflag:s22] =	ssyncset.done $0x0  }
0xa0: {  	[sflag:s22] =	ssyncadd.s32 s4;
	_ =	sdelay $0x1  }
0xa1: {  	s23 =	simm.s32 $0x1B8B  }
0xa2: {  	_ =	swait.ge [sflag:s23], $0x1  }
0xa3: {  	[sflag:s23] =	ssyncset.done $0x0  }
0xa4: {  	s25 =	simm.s32 $0x1B8E;
	s24 =	sld [smem:$0x3FFE];
	[sflag:s23] =	ssyncadd.s32 $0xFFFFFFFF  }
0xa5: {  	s26 =	simm.s32 $execute0_lowered;
	[smem:$0x3FD2] =	sst s25  }
0xa6: {  	s5 =	sshll.u32 s26, $0x1;
	_ =	strace $0x80000049;
	[dreg:$0x1] =	wrdreg $0xFFFFFFFF  }
0xa7: {  	s28 =	simm.s32 $_size_execute0_lowered;
	s3 =	sadd.s32 s3, s5;
	[dreg:$0x0] =	wrdreg $0x0  }
0xa8: {  	s5 =	sshll.u32 s28, $0x1;
	[dreg:$0x2] =	wrdreg s3  }
0xa9: {  	[dreg:$0x3] =	wrdreg s5  }
0xaa: {  	[dreg:$0x4] =	wrdreg $0xC0  }
0xab: {  	_ =	task [dreg:s7], $0x5FFFF  }
0xac: {  	[dreg:$0x1] =	wrdreg $0xFFFFFFFF  }
0xad: {  	[dreg:$0x0] =	wrdreg $0x60  }
0xae: {  	[dreg:$0x2] =	wrdreg s24  }
0xaf: {  	[dreg:$0x3] =	wrdreg s2  }
0xb0: {  	[dreg:$0x4] =	wrdreg $0x9  }
0xb1: {  	_ =	task.clear_ibuf [dreg:s7], $0x5FFFF;
	_ =	strace $0x90000049  }
0xb2: {  	s29 =	simm.s32 $0x9;
	_ =	strace $0x8000004B  }
0xb3: {  	_ =	swait.ge [sflag:s29], $0x1  }
0xb4: {  	[sflag:s29] =	ssyncadd.s32 $0xFFFFFFFF  }
0xb5: {  	_ =	strace $0x9000004B  }
0xb6: {  	_ =	sfence  }
0xb7: {  	s30 =	sld [smem:$0x0];
	_ =	sdelay $0x2  }
0xb8: {  	s31 =	sshll.u32 s1, $0xD;
	s1 =	sshrl.u32 s1, $0x2  }
0xb9: {  	s3 =	sand.u32 $0x4000, s31;
	s1 =	sadd.s32 s1, s30  }
0xba: {  	s0 =	sor.u32 s3, s0;
	s1 =	sshll.u32 s1, $0x11  }
0xbb: {  	s0 =	sor.u32 s1, s0  }
0xbc: {  	s0 =	sadd.s32 $0x8F2B, s0  }
0xbd: {  	[sflag:s0] =	ssyncadd.remote.s32 $0x1  }
0xbe: {  	_ =	sfence.sel $0xFFFF  }
0xbf: {  	[dreg:$0x0] =	wrdreg $0xFFFFFFFF;
	(pc) =	sbr.abs _section_cstart, $3  }
0xc0: {  	[dreg:$0x1] =	wrdreg $0xFFFFFFFF  }
0xc1: {  	_ =	task.clear_ibuf [dreg:s7], $0x2FFFF;
	_ =	strace $0x9FFFFFFF  }
0xc2: {  	(tm) =	ssettm $0x7FFFFFFF  }
0xc3: {  	_ =	shalt  }
tec
execute0_lowered:
.L_overlay_start_1:
0x0: {  	(tag) =	ssettag $0x1  }
0x1: {  	s4 =	rddreg [dreg:$0x0]  }
0x2: {  	s6 =	rddreg [dreg:$0x1]  }
0x3: {  	s0 =	rddreg [dreg:$0x2];
	s1 =	simm.s32 $0x0  }
0x4: {  	s2 =	srdreg.scid;
	s10 =	simm.s32 $0x1000;
	s11 =	simm.s32 $0x0  }
0x5: {  	[smem:$0x7FF] =	sst s1;
	s3 =	sand.u32 $0x1, s2;
	s2 =	stileid.u32  }
0x6: {  	_ =	strace $0x8000004A;
	s5 =	ssub.s32 $0x2, s3;
	s8 =	sshll.u32 s2, $0x13  }
0x7: {  	s9 =	sshll.u32 s3, $0x12;
	s3 =	sadd.s32 $0xC00, s4;
	s4 =	sadd.s32 $0xE00, s4  }
0x8: {  	s7 =	sshrl.u32 s5, $0x1;
	s31 =	sor.u32 s9, s8;
	s9 =	simm.s32 $0x800  }
0x9: {  	v0 =	vimm.f32 $0.0e+00;
	v1 =	vimm.s32 $0xFFFFFFFF;
	v2 =	vlaneseq.u32;
	s5 =	ssub.s32 s5, s7;
	s8 =	sshrl.u32 s31, $0x3;
	s7 =	sor.u32 $0x8000, s31  }
0xa: {  	v3 =	vimm.f32 $-Inf;
	v4 =	vimm.s32 $0x7FFFFFFF;
	v5 =	vimm.s32 $0x0;
	s5 =	smax.u32 s5, $0x1;
	s6 =	sadd.s32 s8, s6;
	s8 =	simm.s32 $0x1  }
.LBB2_1:
0xb: {  	[tilespmem:s1], [sflag:$0x1] =	stream.linear.gather [hbm4b:s3+s1], $0x800, $0x38;
	[tilespmem:$0x9080] =	vst v63  }
0xc: {  	_ =	swait.ge [sflag:s8], $0x800  }
0xd: {  	[sflag:s8] =	ssyncset.done $0x0  }
0xe: {  	[sflag:s8] =	ssyncadd.s32 $0xFFFFF800  }
0xf: {  	[tilespmem:s9], [sflag:$0x1] =	stream.linear.gather [hbm4b:s4+s1], $0x800, $0x38;
	[tilespmem:$0x9080] =	vst v63  }
0x10: {  	_ =	swait.ge [sflag:s8], $0x800  }
0x11: {  	[sflag:s8] =	ssyncset.done $0x0  }
0x12: {  	s12 =	simm.s32 $0x40;
	s13 =	simm.s32 $0x0;
	[sflag:s8] =	ssyncadd.s32 $0xFFFFF800  }
.LBB2_2:
0x13: {  	p0 =	sne.s32 s12, $0x1FFC0;
	[tilespmem:s13+$0x1080] =	vst v0;
	s13 =	smov.u32 s12;
	s12 =	sadd.s32 $0x40, s12  }
.Ltmp0:
0x14: {  	(pc) =	sbr.rel @p0 .LBB2_2-.Ltmp0, $2  }
0x15: {  	_ =	sdelay $0x2  }
0x16: {  	s13 =	sshra.s32 s13, $0x2  }
0x17: {  	[tilespmem:s13+$0x1080] =	vst v0  }
0x18: {  	[tilespmem:$0x1000] =	vst v1  }
0x19: {  	[tilespmem:$0x1010] =	vst v1  }
0x1a: {  	[tilespmem:$0x1020] =	vst v1  }
0x1b: {  	s12 =	simm.s32 $0x0;
	s13 =	simm.s32 $0x0;
	[tilespmem:$0x1030] =	vst v1  }
.LBB2_4:
0x1c: {  	s15 =	simm.s32 $0x800;
	v10 =	vld [tilespmem:s12+$0x0]  }
0x1d: {  	v9 =	vld [tilespmem:s15+$0x0];
	_ =	sdelay $0x3  }
0x1e: {  	v8 =	vimm.f32 $-Inf;
	v7 =	vimm.s32 $0x7FFFFFFF;
	v6 =	vlaneseq.u32;
	s16 =	simm.s32 $0x10;
	s17 =	simm.s32 $0x10;
	s14 =	simm.s32 $0x0  }
.LBB2_5:
0x1f: {  	v11 =	vld [tilespmem:s17+$0x0];
	vm0 =	veq.f32 v10, v8;
	vm1 =	vlt.s32 v9, v7;
	s15 =	sadd.s32 $0x10, s15;
	v12 =	vmov v9;
	s18 =	smov.u32 s16;
	p0 =	sne.s32 s16, $0x7F0  }
.Ltmp1:
0x20: {  	s16 =	sadd.s32 $0x10, s16;
	vm2 =	vgt.f32 v10, v8;
	v9 =	vld [tilespmem:s15+$0x0];
	vm0 =	vmand vm0, vm1;
	(pc) =	sbr.rel @p0 .LBB2_5-.Ltmp1, $3  }
0x21: {  	v13 =	vor.u32 s14, v2;
	s14 =	smov.u32 s18;
	vm0 =	vmor vm2, vm0  }
0x22: {  	v8 =	vsel vm0, v10, v8;
	v7 =	vsel vm0, v12, v7;
	v6 =	vsel vm0, v13, v6;
	_ =	sdelay $0x1  }
0x23: {  	s17 =	sadd.s32 $0x10, s17;
	v10 =	vmov v11  }
0x24: {  	vm0 =	veq.f32 v10, v8;
	vm1 =	vlt.s32 v9, v7  }
0x25: {  	vm2 =	vgt.f32 v10, v8;
	vm0 =	vmand vm0, vm1  }
0x26: {  	vm0 =	vmor vm2, vm0  }
0x27: {  	v59 =	vsel vm0, v10, v8  }
0x28: {  	(xrf0) =	vmax.scan.msk.f32 $0xffff, v59;
	_ =	sdelay $0x5  }
0x29: {  	v60, _, _ =	vpop (xrf0)  }
0x2a: {  	v10 =	vbroadcast v60, $0xF  }
0x2b: {  	v7 =	vsel vm0, v9, v7  }
0x2c: {  	v61 =	vxor.u32 $0x80000000, v7;
	vm14 =	veq.f32 v59, v10  }
0x2d: {  	v8 =	vnsel vm14, $0xFFFFFFFF, v61  }
0x2e: {  	(xrf0) =	vmin.scan.msk.u32 $0xffff, v8;
	_ =	sdelay $0x5  }
0x2f: {  	v8, _, _ =	vpop (xrf0)  }
0x30: {  	(v2sf) =	vpush v8, $0xF;
	_ =	sdelay $0xe  }
0x31: {  	s15 =	spop (v2sf)  }
0x32: {  	v62 =	vor.u32 s14, v2;
	s30 =	sxor.u32 $0x80000000, s15  }
0x33: {  	v6 =	vsel vm0, v62, v6;
	vm15 =	veq.s32 v7, s30  }
0x34: {  	v6 =	vxor.u32 $0x80000000, v6;
	vm0 =	vmand vm14, vm15  }
0x35: {  	v6 =	vnsel vm0, $0xFFFFFFFF, v6  }
0x36: {  	(xrf0) =	vmin.scan.msk.u32 $0xffff, v6;
	_ =	sdelay $0x5  }
0x37: {  	v6, _, _ =	vpop (xrf0)  }
0x38: {  	(v2sf) =	vpush v6, $0xF;
	_ =	sdelay $0xe  }
0x39: {  	s31 =	spop (v2sf)  }
0x3a: {  	v6 =	vmov s13;
	s15 =	sxor.u32 $0x80000000, s31  }
0x3b: {  	s13 =	sadd.s32 $0x1, s13;
	v7 =	vmov s15  }
0x3c: {  	p0 =	sne.s32 s13, $0x32  }
.Ltmp2:
0x3d: {  	_ = 	snop;
	(pc) =	sbr.rel @p0 .LBB2_4-.Ltmp2, $4  }
0x3e: {  	v63 =	vmov s30  }
0x3f: {  	[tilespmem:v6+s10+$0x0] =	vst.idx.msk $0x1, v63  }
0x40: {  	[tilespmem:v7+s1+$0x0] =	vst.idx.msk $0x1, v3  }
0x41: {  	[tilespmem:v7+s9+$0x0] =	vst.idx.msk $0x1, v4  }
0x42: {  	v8 =	vld [tilespmem:$0x1010]  }
0x43: {  	v7 =	vld [tilespmem:$0x1020]  }
0x44: {  	v6 =	vld [tilespmem:$0x1030]  }
0x45: {  	v9 =	vld [tilespmem:$0x1000];
	_ =	sdelay $0x2  }
0x46: {  	s12 =	sadd.s32 $0xFFFF8000, s7  }
0x47: {  	vm1 =	vlt.s32 v8, s7;
	vm2 =	vge.s32 v7, s12;
	vm3 =	vlt.s32 v6, s7  }
0x48: {  	vm0 =	vlt.s32 v9, s7;
	vm4 =	vge.s32 v9, s12;
	vm5 =	vge.s32 v8, s12  }
0x49: {  	vm6 =	vlt.s32 v7, s7;
	vm0 =	vmand vm4, vm0;
	vm1 =	vmand vm5, vm1  }
0x4a: {  	vm4 =	vge.s32 v6, s12;
	vm2 =	vmand vm2, vm6;
	vm5 =	vmor vm0, vm1  }
0x4b: {  	vm3 =	vmand vm4, vm3;
	vm4 =	vmor vm2, vm5  }
0x4c: {  	vm4 =	vmor vm3, vm4  }
0x4d: {  	v10 =	vsel vm4, $0x1, v5  }
0x4e: {  	v10 =	vor.u32 $0x80000000, v10  }
0x4f: {  	(xrf0) =	vmax.scan.msk.u32 $0xffff, v10;
	_ =	sdelay $0x5  }
0x50: {  	v10, _, _ =	vpop (xrf0)  }
0x51: {  	s13 =	sadd.s32 $0x8000, s7;
	(v2sf) =	vpush v10, $0xF  }
0x52: {  	s18 =	sadd.s32 $0xFFFF8000, s13  }
0x53: {  	vm7 =	vlt.s32 v9, s13;
	vm8 =	vge.s32 v9, s18;
	vm9 =	vge.s32 v8, s18  }
0x54: {  	vm10 =	vlt.s32 v7, s13;
	vm6 =	vlt.s32 v6, s13;
	vm4 =	vlt.s32 v8, s13  }
0x55: {  	vm8 =	vmand vm8, vm7;
	vm5 =	vge.s32 v7, s18;
	vm4 =	vmand vm9, vm4  }
0x56: {  	vm7 =	vge.s32 v6, s18;
	vm5 =	vmand vm5, vm10;
	vm9 =	vmor vm8, vm4  }
0x57: {  	vm7 =	vmand vm7, vm6;
	vm6 =	vmor vm5, vm9;
	v10 =	vimm.s32 $0x0  }
0x58: {  	vm6 =	vmor vm7, vm6;
	v10 =	vsel vm4, $0xFFFFFFFF, v10  }
0x59: {  	s17 =	sadd.s32 $0x8000, s13;
	[tilespmem:$0x1FFC0] =	vst v10;
	v10 =	vsel vm6, $0x1, v5  }
0x5a: {  	v11 =	vmov s12;
	s12 =	sadd.s32 $0xFFFF8000, s17;
	v10 =	vor.u32 $0x80000000, v10  }
0x5b: {  	vm14 =	vlt.s32 v6, s17;
	vm0 =	vmmov vm0;
	vm13 =	vge.s32 v9, s12;
	(xrf0) =	vmax.scan.msk.u32 $0xffff, v10  }
0x5c: {  	vm15 =	vge.s32 v8, s12;
	vm12 =	vmmov vm0;
	vm0 =	vlt.s32 v8, s17  }
0x5d: {  	vm0 =	vmand vm15, vm0;
	vm6 =	vmmov vm1;
	vm1 =	vmmov vm3  }
0x5e: {  	vm15 =	vge.s32 v6, s12;
	vm3 =	vlt.s32 v9, s17;
	vm11 =	vmmov vm1  }
0x5f: {  	vm1 =	vge.s32 v7, s12;
	vm13 =	vmand vm13, vm3;
	vm3 =	vlt.s32 v7, s17  }
0x60: {  	vm4 =	vmmov vm2;
	vm1 =	vmand vm1, vm3;
	vm2 =	vmor vm13, vm0;
	s14 =	spop (v2sf)  }
0x61: {  	vm9 =	vmmov vm6;
	vm3 =	vmand vm15, vm14;
	vm2 =	vmor vm1, vm2;
	v10, _, _ =	vpop (xrf0);
	p1 =	slt.u32 s14, $0x80000001  }
0x62: {  	vm2 =	vmor vm3, vm2;
	(v2sf) =	vpush v10, $0xF;
	v10 =	vsub.s32 @!p1 v9, v11;
	s13 =	simm.s32 @p1 $0x1;
	p0 =	por p1, p1  }
0x63: {  	v12 =	vsub.s32 @!p1 v7, v11;
	s14 =	sadd.s32 @p1 $0x0, s6;
	s15 =	simm.s32 @p1 $0x0;
	s16 =	simm.s32 @p1 $0x1080;
	v14 =	vsub.s32 @!p1 v6, v11;
	v11 =	vsub.s32 @!p0 v8, v11  }
0x64: {  	[hbm4b:s14+s15] =	stream.linear.scatter @p0 [tilespmem:s16], [sflag:$0x1], $0x8000, $0x38;
	v13 =	vnsel @!p0 vm9, $0x0, v11;
	v11 =	vnsel @!p0 vm11, $0x0, v14;
	v14 =	vsel vm2, $0x1, v5;
	[tilespmem:$0x9080] =	vst v63  }
0x65: {  	_ =	swait.ge @p0 [sflag:s13], $0x8000;
	v14 =	vor.u32 $0x80000000, v14  }
0x66: {  	v10 =	vnsel @!p1 vm12, $0x0, v10;
	(xrf0) =	vmax.scan.msk.u32 $0xffff, v14;
	v14 =	vld [tilespmem:$0x1FFC0];
	_ =	sdelay $0x1  }
0x67: {  	vm10 =	vmmov vm4  }
0x68: {  	v12 =	vnsel @!p0 vm10, $0x0, v12;
	[sflag:s13] =	ssyncset.done @p0 $0x0  }
0x69: {  	vm14 =	vmmov vm11;
	v15 =	vimm.f32 @!p0 $1.000000000e+00;
	s15 =	simm.s32 @!p0 $0x1080;
	[sflag:s13] =	ssyncadd.s32 @p0 $0xFFFF8000  }
0x6a: {  	[tilespmem:v10+s15+$0x0] =	vst.idx.msk @!p0 vm12, v15;
	vm2 =	vnez.u8 v14  }
0x6b: {  	[tilespmem:v13+s15+$0x0] =	vst.idx.msk @!p0 vm6, v15;
	vm6 =	vmmov vm8;
	vm8 =	vmmov vm5;
	vm2 =	vmmov vm2  }
0x6c: {  	v14 =	vimm.s32 $0x0;
	vm5 =	vmmov vm2;
	vm2 =	vmmov vm13  }
0x6d: {  	[tilespmem:v12+s15+$0x0] =	vst.idx.msk @!p0 vm4, v15;
	v14 =	vsel vm2, $0xFFFFFFFF, v14  }
0x6e: {  	vm2 =	vmmov vm0;
	[tilespmem:$0x1FFD0] =	vst v14;
	v14 =	vimm.s32 $0x0  }
0x6f: {  	vm11 =	vmmov vm7;
	[tilespmem:v11+s15+$0x0] =	vst.idx.msk @!p0 vm14, v15;
	v14 =	vsel vm2, $0xFFFFFFFF, v14  }
0x70: {  	s14 =	simm.s32 @!p0 $0x0;
	s13 =	sadd.s32 @!p0 $0x0, s6;
	vm12 =	vmmov vm12;
	vm2 =	vmmov vm1;
	[tilespmem:$0x1FFE0] =	vst v14;
	v14 =	vimm.s32 $0x0  }
0x71: {  	vm11 =	vmmov vm11;
	vm7 =	vmmov vm6;
	[hbm4b:s13+s14] =	stream.linear.scatter @!p0 [tilespmem:s15], [sflag:$0x1], $0x8000, $0x38;
	v14 =	vsel vm2, $0xFFFFFFFF, v14;
	[tilespmem:$0x9080] =	vst v63  }
0x72: {  	s17 =	sadd.s32 $0x8000, s17;
	s20 =	simm.s32 @!p0 $0x1;
	vm4 =	vmmov vm14;
	vm6 =	vmmov vm3;
	vm13 =	vmmov vm9;
	s19 =	spop (v2sf);
	[tilespmem:$0x1FFF0] =	vst v14  }
0x73: {  	s16 =	simm.s32 $0x3000;
	vm14 =	vmmov vm10;
	vm10 =	vmmov vm8;
	vm15 =	vmmov vm4;
	s14 =	simm.s32 $0x1000;
	_ =	swait.ge @!p0 [sflag:s20], $0x8000  }
0x74: {  	v15 =	vimm.f32 @!p0 $0.0e+00;
	s13 =	simm.s32 $0x2000;
	vm9 =	vmmov vm5;
	p2 =	slt.u32 s19, $0x80000001;
	v14 =	vmov s18;
	v16, _, _ =	vpop (xrf0);
	[sflag:s20] =	ssyncset.done @!p0 $0x0  }
.LBB2_8:
0x75: {  	v17 =	vimm.s32 $0x0;
	(v2sf) =	vpush v16, $0xF;
	[sflag:s20] =	ssyncadd.s32 @!p0 $0xFFFF8000  }
0x76: {  	v16 =	vsub.s32 @!p2 v9, v14;
	vm3 =	vlt.s32 v6, s17;
	v17 =	vsel vm6, $0xFFFFFFFF, v17;
	[tilespmem:v10+s15+$0x0] =	vst.idx.msk @!p0 vm12, v15  }
0x77: {  	vm4 =	vlt.s32 v7, s17;
	vm2 =	vmmov vm8;
	[tilespmem:$0x1FFB0] =	vst v17;
	v17 =	vimm.s32 $0x0  }
0x78: {  	s18 =	smov.u32 s12;
	s12 =	sadd.s32 $0xFFFF8000, s17;
	vm8 =	vmmov vm5;
	vm12 =	vlt.s32 v9, s17;
	[tilespmem:v13+s15+$0x0] =	vst.idx.msk @!p0 vm13, v15;
	v17 =	vsel vm1, $0xFFFFFFFF, v17  }
0x79: {  	vm5 =	vge.s32 v6, s12;
	vm6 =	vge.s32 v8, s12;
	[tilespmem:$0x1FFA0] =	vst v17;
	v17 =	vimm.s32 $0x0  }
0x7a: {  	s20 =	sadd.s32 @p2 s14, s6;
	vm13 =	vge.s32 v9, s12;
	[tilespmem:v12+s15+$0x0] =	vst.idx.msk @!p0 vm14, v15;
	v17 =	vsel vm0, $0xFFFFFFFF, v17;
	vm0 =	vlt.s32 v8, s17  }
0x7b: {  	s22 =	simm.s32 @p2 $0x0;
	s23 =	simm.s32 @p2 $0x1080;
	vm1 =	vge.s32 v7, s12;
	vm13 =	vmand vm13, vm12;
	[tilespmem:v11+s15+$0x0] =	vst.idx.msk @!p0 vm15, v15;
	p0 =	por p2, p2;
	vm0 =	vmand vm6, vm0  }
0x7c: {  	v10 =	vnsel @!p2 vm7, $0x0, v16;
	vm1 =	vmand vm1, vm4;
	[hbm4b:s20+s22] =	stream.linear.scatter @p0 [tilespmem:s23], [sflag:$0x1], $0x8000, $0x38;
	vm4 =	vmor vm13, vm0;
	[tilespmem:$0x9080] =	vst v63  }
0x7d: {  	s21 =	simm.s32 @p2 $0x1;
	v16 =	vsub.s32 @!p2 v6, v14;
	vm3 =	vmand vm5, vm3;
	[tilespmem:$0x1FF90] =	vst v17;
	vm4 =	vmor vm1, vm4  }
0x7e: {  	v11 =	vsub.s32 @!p0 v8, v14;
	v17 =	vsub.s32 @!p2 v7, v14;
	_ =	swait.ge @p0 [sflag:s21], $0x8000;
	vm4 =	vmor vm3, vm4  }
0x7f: {  	v13 =	vnsel @!p0 vm9, $0x0, v11;
	v11 =	vnsel @!p0 vm11, $0x0, v16;
	v16 =	vld [tilespmem:$0x1FFD0];
	v14 =	vsel vm4, $0x1, v5  }
0x80: {  	v14 =	vor.u32 $0x80000000, v14  }
0x81: {  	(xrf0) =	vmax.scan.msk.u32 $0xffff, v14;
	v14 =	vld [tilespmem:$0x1FFE0];
	_ =	sdelay $0x1  }
0x82: {  	[sflag:s21] =	ssyncset.done @p0 $0x0  }
0x83: {  	vm12 =	vmmov vm7;
	v15 =	vimm.f32 @!p0 $1.000000000e+00;
	s15 =	simm.s32 @!p0 $0x1080;
	[sflag:s21] =	ssyncadd.s32 @p0 $0xFFFF8000;
	vm4 =	vnez.u8 v16  }
0x84: {  	[tilespmem:v10+s15+$0x0] =	vst.idx.msk @!p0 vm7, v15;
	v16 =	vimm.s32 $0x0;
	vm7 =	vmmov vm4;
	vm4 =	vmmov vm13  }
0x85: {  	vm13 =	vmmov vm9;
	v16 =	vsel vm4, $0xFFFFFFFF, v16;
	vm4 =	vnez.u8 v14  }
0x86: {  	v14 =	vimm.s32 $0x0;
	vm9 =	vmmov vm4;
	vm4 =	vmmov vm0  }
0x87: {  	v14 =	vsel vm4, $0xFFFFFFFF, v14  }
0x88: {  	[tilespmem:$0x1FFE0] =	vst v14;
	v14 =	vld [tilespmem:$0x1FF90];
	_ =	sdelay $0x4  }
0x89: {  	vm4 =	vnez.u8 v14;
	v14 =	vld [tilespmem:$0x1FFF0];
	_ =	sdelay $0x3  }
0x8a: {  	vm14 =	vmmov vm10  }
0x8b: {  	v12 =	vnsel @!p0 vm10, $0x0, v17;
	vm5 =	vmmov vm4;
	vm4 =	vnez.u8 v14  }
0x8c: {  	v14 =	vimm.s32 $0x0;
	vm10 =	vmmov vm4;
	vm4 =	vmmov vm1  }
0x8d: {  	v14 =	vsel vm4, $0xFFFFFFFF, v14  }
0x8e: {  	[tilespmem:$0x1FFF0] =	vst v14;
	v14 =	vld [tilespmem:$0x1FFA0];
	_ =	sdelay $0x3  }
0x8f: {  	[tilespmem:v13+s15+$0x0] =	vst.idx.msk @!p0 vm8, v15  }
0x90: {  	s19 =	smov.u32 s16;
	s16 =	sadd.s32 $0x1000, s16;
	[tilespmem:v12+s15+$0x0] =	vst.idx.msk @!p0 vm2, v15;
	vm2 =	vnez.u8 v14;
	v14 =	vld [tilespmem:$0x1FFB0]  }
0x91: {  	p1 =	sne.s32 s16, $0x8000  }
.Ltmp3:
0x92: {  	s22 =	simm.s32 @!p0 $0x0;
	s21 =	sadd.s32 @!p0 s14, s6;
	[tilespmem:v11+s15+$0x0] =	vst.idx.msk @!p0 vm11, v15;
	(pc) =	sbr.rel @p1 .LBB2_8-.Ltmp3, $4  }
0x93: {  	[hbm4b:s21+s22] =	stream.linear.scatter @!p0 [tilespmem:s15], [sflag:$0x1], $0x8000, $0x38;
	[tilespmem:$0x9080] =	vst v63  }
0x94: {  	vm15 =	vmmov vm11;
	s20 =	simm.s32 @!p0 $0x1;
	s31 =	spop (v2sf);
	[tilespmem:$0x1FFD0] =	vst v16  }
0x95: {  	s17 =	sadd.s32 $0x8000, s17;
	vm6 =	vmmov vm3;
	s14 =	smov.u32 s13;
	_ =	swait.ge @!p0 [sflag:s20], $0x8000;
	vm8 =	vmmov vm2;
	vm2 =	vnez.u8 v14  }
0x96: {  	s13 =	smov.u32 s19;
	v15 =	vimm.f32 @!p0 $0.0e+00;
	p2 =	slt.u32 s31, $0x80000001;
	v16, _, _ =	vpop (xrf0);
	[sflag:s20] =	ssyncset.done @!p0 $0x0;
	v14 =	vmov s18;
	vm11 =	vmmov vm2  }
0x97: {  	_ =	sdelay $0x2  }
0x98: {  	(v2sf) =	vpush v16, $0xF  }
0x99: {  	[sflag:s20] =	ssyncadd.s32 @!p0 $0xFFFF8000  }
0x9a: {  	[tilespmem:v10+s15+$0x0] =	vst.idx.msk @!p0 vm12, v15  }
0x9b: {  	[tilespmem:v13+s15+$0x0] =	vst.idx.msk @!p0 vm13, v15  }
0x9c: {  	s16 =	simm.s32 @p2 $0x1;
	p1 =	por p2, p2;
	v10 =	vsub.s32 @!p2 v9, v14;
	[tilespmem:v12+s15+$0x0] =	vst.idx.msk @!p0 vm14, v15  }
0x9d: {  	s17 =	sadd.s32 @p2 s14, s6;
	s18 =	simm.s32 @p2 $0x0;
	s19 =	simm.s32 @p2 $0x1080;
	v10 =	vnsel @!p2 vm7, $0x0, v10;
	[tilespmem:v11+s15+$0x0] =	vst.idx.msk @!p0 vm15, v15;
	v11 =	vsub.s32 @!p1 v8, v14  }
0x9e: {  	v12 =	vsub.s32 @!p2 v7, v14;
	[hbm4b:s17+s18] =	stream.linear.scatter @p1 [tilespmem:s19], [sflag:$0x1], $0x8000, $0x38;
	v11 =	vnsel @!p1 vm9, $0x0, v11;
	[tilespmem:$0x9080] =	vst v63  }
0x9f: {  	v13 =	vsub.s32 @!p2 v6, v14;
	v12 =	vnsel @!p1 vm10, $0x0, v12;
	_ =	swait.ge @p1 [sflag:s16], $0x8000  }
0xa0: {  	v13 =	vnsel @!p1 vm11, $0x0, v13;
	[sflag:s16] =	ssyncset.done @p1 $0x0  }
0xa1: {  	v14 =	vimm.f32 @!p1 $1.000000000e+00;
	s15 =	simm.s32 @!p1 $0x1080;
	[sflag:s16] =	ssyncadd.s32 @p1 $0xFFFF8000  }
0xa2: {  	[tilespmem:v10+s15+$0x0] =	vst.idx.msk @!p1 vm7, v14  }
0xa3: {  	[tilespmem:v11+s15+$0x0] =	vst.idx.msk @!p1 vm5, v14  }
0xa4: {  	[tilespmem:v12+s15+$0x0] =	vst.idx.msk @!p1 vm8, v14  }
0xa5: {  	s14 =	sadd.s32 @!p1 s14, s6;
	s16 =	simm.s32 @!p1 $0x0;
	[tilespmem:v13+s15+$0x0] =	vst.idx.msk @!p1 vm11, v14  }
0xa6: {  	[hbm4b:s14+s16] =	stream.linear.scatter @!p1 [tilespmem:s15], [sflag:$0x1], $0x8000, $0x38;
	[tilespmem:$0x9080] =	vst v63  }
0xa7: {  	s14 =	simm.s32 @!p1 $0x1;
	s31 =	spop (v2sf)  }
0xa8: {  	_ =	swait.ge @!p1 [sflag:s14], $0x8000  }
0xa9: {  	v61 =	vld [tilespmem:$0x1FFD0]  }
0xaa: {  	v62 =	vld [tilespmem:$0x1FFE0]  }
0xab: {  	[sflag:s14] =	ssyncset.done @!p1 $0x0;
	v63 =	vld [tilespmem:$0x1FFF0]  }
0xac: {  	vm2 =	vmmov vm7;
	vm3 =	vmmov vm9;
	v14 =	vimm.f32 @!p1 $0.0e+00;
	[sflag:s14] =	ssyncadd.s32 @!p1 $0xFFFF8000  }
0xad: {  	vm4 =	vmmov vm10;
	vm0 =	vmmov vm0;
	p2 =	slt.u32 s31, $0x80000001;
	[tilespmem:v10+s15+$0x0] =	vst.idx.msk @!p1 vm7, v14;
	v10 =	vmov s12  }
0xae: {  	vm1 =	vmmov vm1;
	p0 =	por p2, p2;
	[tilespmem:v11+s15+$0x0] =	vst.idx.msk @!p1 vm9, v14;
	v9 =	vsub.s32 @!p2 v9, v10;
	vm2 =	vnez.u8 v61  }
0xaf: {  	s16 =	simm.s32 @p2 $0x1080;
	v8 =	vsub.s32 @!p0 v8, v10;
	[tilespmem:v12+s15+$0x0] =	vst.idx.msk @!p1 vm10, v14;
	vm3 =	vnez.u8 v62;
	vm2 =	vmmov vm2  }
0xb0: {  	s14 =	sadd.s32 @p2 s13, s6;
	s12 =	simm.s32 @p2 $0x1;
	[tilespmem:v13+s15+$0x0] =	vst.idx.msk @!p1 vm11, v14;
	vm4 =	vnez.u8 v63;
	s15 =	simm.s32 @p2 $0x0;
	vm3 =	vmmov vm3;
	v9 =	vnsel @!p2 vm2, $0x0, v9  }
0xb1: {  	v7 =	vsub.s32 @!p2 v7, v10;
	vm4 =	vmmov vm4;
	[hbm4b:s14+s15] =	stream.linear.scatter @p0 [tilespmem:s16], [sflag:$0x1], $0x8000, $0x38;
	v8 =	vnsel @!p0 vm3, $0x0, v8;
	[tilespmem:$0x9080] =	vst v63  }
0xb2: {  	vm5 =	vmmov vm6;
	v6 =	vsub.s32 @!p2 v6, v10;
	_ =	swait.ge @p0 [sflag:s12], $0x8000;
	v7 =	vnsel @!p0 vm4, $0x0, v7  }
0xb3: {  	v6 =	vnsel @!p0 vm5, $0x0, v6;
	[sflag:s12] =	ssyncset.done @p0 $0x0  }
0xb4: {  	v10 =	vimm.f32 @!p0 $1.000000000e+00;
	[sflag:s12] =	ssyncadd.s32 @p0 $0xFFFF8000;
	s12 =	simm.s32 @!p0 $0x1080  }
0xb5: {  	[tilespmem:v9+s12+$0x0] =	vst.idx.msk @!p0 vm2, v10  }
0xb6: {  	[tilespmem:v8+s12+$0x0] =	vst.idx.msk @!p0 vm0, v10  }
0xb7: {  	vm0 =	vmmov vm2;
	[tilespmem:v7+s12+$0x0] =	vst.idx.msk @!p0 vm1, v10  }
0xb8: {  	s13 =	sadd.s32 @!p0 s13, s6;
	s14 =	simm.s32 @!p0 $0x0;
	s15 =	simm.s32 @!p0 $0x1;
	vm1 =	vmmov vm3;
	[tilespmem:v6+s12+$0x0] =	vst.idx.msk @!p0 vm6, v10  }
0xb9: {  	[hbm4b:s13+s14] =	stream.linear.scatter @!p0 [tilespmem:s12], [sflag:$0x1], $0x8000, $0x38;
	[tilespmem:$0x9080] =	vst v63  }
0xba: {  	s11 =	sadd.s32 $0x1, s11;
	_ =	swait.ge @!p0 [sflag:s15], $0x8000  }
0xbb: {  	p1 =	sne.s32 s11, s5;
	[sflag:s15] =	ssyncset.done @!p0 $0x0  }
.Ltmp4:
0xbc: {  	v10 =	vimm.f32 @!p0 $0.0e+00;
	[sflag:s15] =	ssyncadd.s32 @!p0 $0xFFFF8000;
	(pc) =	sbr.rel @p1 .LBB2_1-.Ltmp4, $4  }
0xbd: {  	[tilespmem:v9+s12+$0x0] =	vst.idx.msk @!p0 vm0, v10  }
0xbe: {  	[tilespmem:v8+s12+$0x0] =	vst.idx.msk @!p0 vm1, v10  }
0xbf: {  	[tilespmem:v7+s12+$0x0] =	vst.idx.msk @!p0 vm4, v10  }
0xc0: {  	vm13 =	vmmov vm11;
	vm15 =	vmmov vm5;
	vm14 =	vmmov vm4;
	[tilespmem:v6+s12+$0x0] =	vst.idx.msk @!p0 vm5, v10  }
0xc1: {  	_ =	sfence.sel $0x180000  }
0xc2: {  	[bflag:$0x0] =	sbarrier.arrive $0xFFFF  }
0xc3: {  	p0 =	sne.s32 s2, $0x0;
	_ =	strace $0x9000004A  }
0xc4: {  	s0 =	sadd.s32 @!p0 $0x100000, s0;
	[bflag:$0x2] =	sbarrier.arrive $0xFFFF  }
0xc5: {  	[sflag:s0] =	ssyncadd.tile.s32 @!p0 $0x1;
	_ =	shalt  }
.Lfunc_end2:
_tile_overlayer_lowered:
.L_overlay_start_2:
0xc6: {  	(tag) =	ssettag $0x2  }
0xc7: {  	s0 =	rddreg [dreg:$0x0];
	s2 =	stileid.u32  }
0xc8: {  	s1 =	rddreg [dreg:$0x1];
	p0 =	sne.s32 s2, $0x0  }
0xc9: {  	s3 =	rddreg [dreg:$0x2];
	[bflag:$0x3] =	sbarrier.arrive $0xFFFF;
	s2 =	simm.s32 @!p0 $0x1C01  }
0xca: {  	[timem:s3], [sflag:s2] =	dma.local @!p0 [hbm:s0], s1  }
0xcb: {  	s0 =	simm.s32 @!p0 $0x1  }
0xcc: {  	_ =	swait.ge @!p0 [sflag:s0], s1  }
0xcd: {  	s1 =	ssub.s32 @!p0 $0x0, s1;
	[sflag:s0] =	ssyncset.done @!p0 $0x0  }
0xce: {  	[sflag:s0] =	ssyncadd.s32 @!p0 s1  }
0xcf: {  	[bflag:$0x3] =	sbarrier.arrive $0xFFFF  }
0xd0: {  	_ =	shalt  }

</sc_bundles>
